<compile_context>
chip_gen: v7x
topology: tpu7x:2x2x1
jax: 0.10.2.dev20260603
libtpu: 0.0.44.dev20260713+nightly
codegen_flags: <defaults>
</compile_context>

<pallas_src>
import functools

import jax
import jax.numpy as jnp
from jax import lax
from jax.experimental import pallas as pl
from jax.experimental.pallas import tpu as pltpu
from jax.experimental.pallas import tpu_sc as plsc

BATCH = 16384
EMBED = 64
NTOK = 1000

NUM_CORES = 2
NUM_SUBCORES = 16
NW = NUM_CORES * NUM_SUBCORES
LANES = 128
NSLOT = 8
BM = 2048


def _gather_body(bpw, idx_hbm, tableT_hbm, outT_hbm, idx_v, slabs, rows_v,
                 *sems):
    wid = lax.axis_index("s") * NUM_CORES + lax.axis_index("c")
    base = pl.multiple_of(wid * bpw, bpw)
    pltpu.sync_copy(idx_hbm.at[pl.ds(base, bpw)], idx_v)

    rows16 = [lax.iota(jnp.int32, 16) + 16 * q for q in range(EMBED // 16)]

    def fire(s, slot):
        c = pl.multiple_of((s >> 7) << 7, LANES)
        pltpu.async_copy(
            tableT_hbm.at[:, pl.ds(c, LANES)], slabs.at[slot], sems[slot])

    def wait(slot):
        pltpu.make_async_copy(
            tableT_hbm.at[:, pl.ds(0, LANES)], slabs.at[slot], sems[slot]
        ).wait()

    def select(s, j, slot):
        lane = jnp.full((16,), s & (LANES - 1), jnp.int32)
        col = jnp.full((16,), j, jnp.int32)
        for q in range(EMBED // 16):
            vals = plsc.load_gather(slabs.at[slot], [rows16[q], lane])
            plsc.store_scatter(rows_v, [rows16[q], col], vals)

    nsteps = bpw // 16
    vec0 = idx_v[pl.ds(0, 16)]
    carry0 = [vec0[k] for k in range(16)]
    for k in range(NSLOT):
        fire(carry0[k], k)

    def body(t, carry):
        j0 = pl.multiple_of(t * 16, 16)
        for k in range(NSLOT):
            wait(k)
            select(carry[k], j0 + k, k)
            fire(carry[NSLOT + k], k)
        nb = pl.multiple_of(
            jnp.minimum((t + 1) * 16, bpw - 16).astype(jnp.int32), 16)
        vec_next = idx_v[pl.ds(nb, 16)]
        nxt = [vec_next[k] for k in range(16)]
        for k in range(NSLOT):
            wait(k)
            select(carry[NSLOT + k], j0 + NSLOT + k, k)

            @pl.when(t + 1 < nsteps)
            def _():
                fire(nxt[k], k)
        return nxt

    lax.fori_loop(0, nsteps, body, carry0)
    pltpu.sync_copy(rows_v, outT_hbm.at[:, pl.ds(base, bpw)])


def _make_gather(nbatch):
    bpw = nbatch // NW
    return pl.kernel(
        functools.partial(_gather_body, bpw),
        out_type=jax.ShapeDtypeStruct((EMBED, nbatch), jnp.float32),
        mesh=plsc.VectorSubcoreMesh(core_axis_name="c", subcore_axis_name="s"),
        scratch_types=[
            pltpu.VMEM((bpw,), jnp.int32),
            pltpu.VMEM((NSLOT, EMBED, LANES), jnp.float32),
            pltpu.VMEM((EMBED, bpw), jnp.float32),
        ] + [pltpu.SemaphoreType.DMA] * NSLOT,
        compiler_params=pltpu.CompilerParams(needs_layout_passes=False),
    )


_gather = _make_gather(BATCH)


def _decode_body(d_ref, ht_ref, o_ref):
    blk = jax.lax.dot_general(
        ht_ref[...], d_ref[...],
        dimension_numbers=(((0,), (0,)), ((), ())),
        preferred_element_type=jnp.float32,
    )
    o_ref[...] = blk.T


_decode = pl.pallas_call(
    _decode_body,
    grid=(BATCH // BM,),
    in_specs=[
        pl.BlockSpec((EMBED, NTOK), lambda i: (0, 0)),
        pl.BlockSpec((EMBED, BM), lambda i: (0, i)),
    ],
    out_specs=pl.BlockSpec((NTOK, BM), lambda i: (0, i)),
    out_shape=jax.ShapeDtypeStruct((NTOK, BATCH), jnp.float32),
    compiler_params=pltpu.CompilerParams(
        dimension_semantics=("arbitrary",),
    ),
)


def kernel(x, embedding_weight, decoder_weight):
    hiddenT = _gather(x.astype(jnp.int32), embedding_weight.T)
    return _decode(decoder_weight.T, hiddenT).T

# --- scband reference (transcript-rebuilt; emitter-appended) ---
"""Pipeline reference for scband-area2-vec-21543555957245 (READ-ONLY COPY).

The authoritative reference and input builder live on the scoring server;
editing this copy changes nothing except your own understanding.
"""

import jax, jax.numpy as jnp
import numpy as np

NUM_AREAS = 1000000
EMBED_SIZE = 64
NUM_OUTPUT_TOKENS = 1000
BATCH = 16384

def setup_inputs(seed: int = 0) -> dict:
    key = jax.random.key(seed)
    k1, k2, k3 = jax.random.split(key, 3)
    x = jax.random.randint(k1, (BATCH,), 0, NUM_AREAS, dtype=jnp.int64 if jax.config.jax_enable_x64 else jnp.int32)
    # embedding initialized uniform(-0.5/embed, 0.5/embed) as in initialize_weights
    embedding_weight = jax.random.uniform(k2, (NUM_AREAS, EMBED_SIZE), dtype=jnp.float32, minval=-0.5 / EMBED_SIZE, maxval=0.5 / EMBED_SIZE)
    # decoder weight [num_output_tokens, embed_size] (torch Linear layout, no bias)
    decoder_weight = jax.random.normal(k3, (NUM_OUTPUT_TOKENS, EMBED_SIZE), dtype=jnp.float32) * 0.02
    return {"x": x, "embedding_weight": embedding_weight, "decoder_weight": decoder_weight}

def reference(x, embedding_weight, decoder_weight):
    # hidden = self.embedding(x)
    hidden = jnp.take(embedding_weight, x, axis=0)
    # return self.decode_linear(hidden)  (no bias)
    return hidden @ decoder_weight.T

if __name__ == "__main__":
    import jax
    _d = setup_inputs()
    print(jax.jit(kernel)(*tuple(_d.values())))

</pallas_src>

<mosaic_0001>
#map = affine_map<(d0, d1) -> (0)>
#map1 = affine_map<(d0, d1) -> (0, 0)>
module attributes {stable_mosaic.version = 14 : i64} {
  func.func @_gather_body(%arg0: i32, %arg1: i32, %arg2: memref<16384xi32, #tpu.memory_space<hbm>>, %arg3: memref<64x1000000xf32, #tpu.memory_space<hbm>>, %arg4: memref<64x16384xf32, #tpu.memory_space<hbm>>, %arg5: memref<512xi32, #tpu.memory_space<vmem>>, %arg6: memref<8x64x128xf32, #tpu.memory_space<vmem>>, %arg7: memref<64x512xf32, #tpu.memory_space<vmem>>, %arg8: memref<!tpu.dma_semaphore, #tpu.memory_space<semaphore_mem>>, %arg9: memref<!tpu.dma_semaphore, #tpu.memory_space<semaphore_mem>>, %arg10: memref<!tpu.dma_semaphore, #tpu.memory_space<semaphore_mem>>, %arg11: memref<!tpu.dma_semaphore, #tpu.memory_space<semaphore_mem>>, %arg12: memref<!tpu.dma_semaphore, #tpu.memory_space<semaphore_mem>>, %arg13: memref<!tpu.dma_semaphore, #tpu.memory_space<semaphore_mem>>, %arg14: memref<!tpu.dma_semaphore, #tpu.memory_space<semaphore_mem>>, %arg15: memref<!tpu.dma_semaphore, #tpu.memory_space<semaphore_mem>>) attributes {dimension_semantics = [#tpu.dimension_semantics<core_parallel>, #tpu.dimension_semantics<subcore_parallel>], iteration_bounds = array<i64: 2, 16>, scalar_prefetch = 0 : i64, scratch_operands = 11 : i64, tpu.core_type = #tpu.core_type<sc_vector_subcore>, window_params = [{transform_indices = #map}, {transform_indices = #map1}, {transform_indices = #map1}]} {
    %mul3A = arith.constant 2 : i32
    %mul3A_0 = arith.muli %arg1, %mul3A : i32
    %add3A = arith.addi %mul3A_0, %arg0 : i32
    %mul3A_1 = arith.constant 512 : i32
    %mul3A_2 = arith.muli %add3A, %mul3A_1 : i32
    %multiple_of3A = tpu.assume_multiple %mul3A_2, 512 : i32
    "tpu.region"() ({
      %run_scoped3A = tpu.sem_alloc : memref<!tpu.dma_semaphore, #tpu.memory_space<semaphore_mem>>
      %dma_start3A_195 = tpu.memref_slice %arg2[%multiple_of3A] : memref<16384xi32, #tpu.memory_space<hbm>> -> memref<512xi32, #tpu.memory_space<hbm>>
      %dma_start3A_196 = tpu.memref_slice %arg2[%multiple_of3A] : memref<16384xi32, #tpu.memory_space<hbm>> -> memref<512xi32, #tpu.memory_space<hbm>>
      tpu.enqueue_dma source(%dma_start3A_196 : memref<512xi32, #tpu.memory_space<hbm>>) target(%arg5 : memref<512xi32, #tpu.memory_space<vmem>>) target_semaphore(%run_scoped3A : memref<!tpu.dma_semaphore, #tpu.memory_space<semaphore_mem>>)
      %dma_wait3A = tpu.memref_slice %arg2[%multiple_of3A] : memref<16384xi32, #tpu.memory_space<hbm>> -> memref<512xi32, #tpu.memory_space<hbm>>
      %dma_wait3A_197 = tpu.memref_slice %arg2[%multiple_of3A] : memref<16384xi32, #tpu.memory_space<hbm>> -> memref<512xi32, #tpu.memory_space<hbm>>
      tpu.wait_dma2 semaphore(%run_scoped3A : memref<!tpu.dma_semaphore, #tpu.memory_space<semaphore_mem>>) src(%dma_wait3A_197 : memref<512xi32, #tpu.memory_space<hbm>>) dst(%arg5 : memref<512xi32, #tpu.memory_space<vmem>>)
      tpu.yield
    }) : () -> ()
    %iota3A = tpu.iota {dimensions = array<i32: 0>} : vector<16xi32>
    %add3A_3 = arith.constant 0 : i32
    %add3A_4 = vector.broadcast %add3A_3 : i32 to vector<16xi32>
    %add3A_5 = arith.addi %iota3A, %add3A_4 : vector<16xi32>
    %iota3A_6 = tpu.iota {dimensions = array<i32: 0>} : vector<16xi32>
    %add3A_7 = arith.constant 16 : i32
    %add3A_8 = vector.broadcast %add3A_7 : i32 to vector<16xi32>
    %add3A_9 = arith.addi %iota3A_6, %add3A_8 : vector<16xi32>
    %iota3A_10 = tpu.iota {dimensions = array<i32: 0>} : vector<16xi32>
    %add3A_11 = arith.constant 32 : i32
    %add3A_12 = vector.broadcast %add3A_11 : i32 to vector<16xi32>
    %add3A_13 = arith.addi %iota3A_10, %add3A_12 : vector<16xi32>
    %iota3A_14 = tpu.iota {dimensions = array<i32: 0>} : vector<16xi32>
    %add3A_15 = arith.constant 48 : i32
    %add3A_16 = vector.broadcast %add3A_15 : i32 to vector<16xi32>
    %add3A_17 = arith.addi %iota3A_14, %add3A_16 : vector<16xi32>
    %get3A = arith.constant 0 : index
    %get3A_18 = tpu.vector_load %arg5[%get3A] {strides = array<i32>} : memref<512xi32, #tpu.memory_space<vmem>>, vector<16xi32>,
    %slice3A = vector.extract_strided_slice %get3A_18 {offsets = [0], sizes = [1], strides = [1]} : vector<16xi32> to vector<1xi32>
    %squeeze3A = vector.extract %slice3A[0] : i32 from vector<1xi32>
    %slice3A_19 = vector.extract_strided_slice %get3A_18 {offsets = [1], sizes = [1], strides = [1]} : vector<16xi32> to vector<1xi32>
    %squeeze3A_20 = vector.extract %slice3A_19[0] : i32 from vector<1xi32>
    %slice3A_21 = vector.extract_strided_slice %get3A_18 {offsets = [2], sizes = [1], strides = [1]} : vector<16xi32> to vector<1xi32>
    %squeeze3A_22 = vector.extract %slice3A_21[0] : i32 from vector<1xi32>
    %slice3A_23 = vector.extract_strided_slice %get3A_18 {offsets = [3], sizes = [1], strides = [1]} : vector<16xi32> to vector<1xi32>
    %squeeze3A_24 = vector.extract %slice3A_23[0] : i32 from vector<1xi32>
    %slice3A_25 = vector.extract_strided_slice %get3A_18 {offsets = [4], sizes = [1], strides = [1]} : vector<16xi32> to vector<1xi32>
    %squeeze3A_26 = vector.extract %slice3A_25[0] : i32 from vector<1xi32>
    %slice3A_27 = vector.extract_strided_slice %get3A_18 {offsets = [5], sizes = [1], strides = [1]} : vector<16xi32> to vector<1xi32>
    %squeeze3A_28 = vector.extract %slice3A_27[0] : i32 from vector<1xi32>
    %slice3A_29 = vector.extract_strided_slice %get3A_18 {offsets = [6], sizes = [1], strides = [1]} : vector<16xi32> to vector<1xi32>
    %squeeze3A_30 = vector.extract %slice3A_29[0] : i32 from vector<1xi32>
    %slice3A_31 = vector.extract_strided_slice %get3A_18 {offsets = [7], sizes = [1], strides = [1]} : vector<16xi32> to vector<1xi32>
    %squeeze3A_32 = vector.extract %slice3A_31[0] : i32 from vector<1xi32>
    %slice3A_33 = vector.extract_strided_slice %get3A_18 {offsets = [8], sizes = [1], strides = [1]} : vector<16xi32> to vector<1xi32>
    %squeeze3A_34 = vector.extract %slice3A_33[0] : i32 from vector<1xi32>
    %slice3A_35 = vector.extract_strided_slice %get3A_18 {offsets = [9], sizes = [1], strides = [1]} : vector<16xi32> to vector<1xi32>
    %squeeze3A_36 = vector.extract %slice3A_35[0] : i32 from vector<1xi32>
    %slice3A_37 = vector.extract_strided_slice %get3A_18 {offsets = [10], sizes = [1], strides = [1]} : vector<16xi32> to vector<1xi32>
    %squeeze3A_38 = vector.extract %slice3A_37[0] : i32 from vector<1xi32>
    %slice3A_39 = vector.extract_strided_slice %get3A_18 {offsets = [11], sizes = [1], strides = [1]} : vector<16xi32> to vector<1xi32>
    %squeeze3A_40 = vector.extract %slice3A_39[0] : i32 from vector<1xi32>
    %slice3A_41 = vector.extract_strided_slice %get3A_18 {offsets = [12], sizes = [1], strides = [1]} : vector<16xi32> to vector<1xi32>
    %squeeze3A_42 = vector.extract %slice3A_41[0] : i32 from vector<1xi32>
    %slice3A_43 = vector.extract_strided_slice %get3A_18 {offsets = [13], sizes = [1], strides = [1]} : vector<16xi32> to vector<1xi32>
    %squeeze3A_44 = vector.extract %slice3A_43[0] : i32 from vector<1xi32>
    %slice3A_45 = vector.extract_strided_slice %get3A_18 {offsets = [14], sizes = [1], strides = [1]} : vector<16xi32> to vector<1xi32>
    %squeeze3A_46 = vector.extract %slice3A_45[0] : i32 from vector<1xi32>
    %slice3A_47 = vector.extract_strided_slice %get3A_18 {offsets = [15], sizes = [1], strides = [1]} : vector<16xi32> to vector<1xi32>
    %squeeze3A_48 = vector.extract %slice3A_47[0] : i32 from vector<1xi32>
    %shift_right_arithmetic3A = arith.constant 7 : i32
    %shift_right_arithmetic3A_49 = arith.shrsi %squeeze3A, %shift_right_arithmetic3A : i32
    %shift_left3A = arith.constant 7 : i32
    %shift_left3A_50 = arith.shli %shift_right_arithmetic3A_49, %shift_left3A : i32
    %multiple_of3A_51 = tpu.assume_multiple %shift_left3A_50, 128 : i32
    %dma_start3A = arith.constant 0 : i32
    %dma_start3A_52 = arith.constant 0 : i32
    %dma_start3A_53 = arith.constant 0 : i32
    %dma_start3A_54 = tpu.memref_slice %arg6[%dma_start3A, %dma_start3A_52, %dma_start3A_53] : memref<8x64x128xf32, #tpu.memory_space<vmem>> -> memref<1x64x128xf32, #tpu.memory_space<vmem>>
    %dma_start3A_55 = tpu.memref_squeeze %dma_start3A_54 : memref<1x64x128xf32, #tpu.memory_space<vmem>> -> memref<64x128xf32, #tpu.memory_space<vmem>>
    %dma_start3A_56 = arith.constant 0 : i32
    %dma_start3A_57 = tpu.memref_slice %arg3[%dma_start3A_56, %multiple_of3A_51] : memref<64x1000000xf32, #tpu.memory_space<hbm>> -> memref<64x128xf32, #tpu.memory_space<hbm>>
    %dma_start3A_58 = arith.constant 0 : i32
    %dma_start3A_59 = arith.constant 0 : i32
    %dma_start3A_60 = tpu.memref_slice %arg6[%dma_start3A, %dma_start3A_58, %dma_start3A_59] : memref<8x64x128xf32, #tpu.memory_space<vmem>> -> memref<1x64x128xf32, #tpu.memory_space<vmem>>
    %dma_start3A_61 = tpu.memref_squeeze %dma_start3A_60 : memref<1x64x128xf32, #tpu.memory_space<vmem>> -> memref<64x128xf32, #tpu.memory_space<vmem>>
    %dma_start3A_62 = arith.constant 0 : i32
    %dma_start3A_63 = tpu.memref_slice %arg3[%dma_start3A_62, %multiple_of3A_51] : memref<64x1000000xf32, #tpu.memory_space<hbm>> -> memref<64x128xf32, #tpu.memory_space<hbm>>
    tpu.enqueue_dma source(%dma_start3A_63 : memref<64x128xf32, #tpu.memory_space<hbm>>) target(%dma_start3A_61 : memref<64x128xf32, #tpu.memory_space<vmem>>) target_semaphore(%arg8 : memref<!tpu.dma_semaphore, #tpu.memory_space<semaphore_mem>>)
    %shift_right_arithmetic3A_64 = arith.constant 7 : i32
    %shift_right_arithmetic3A_65 = arith.shrsi %squeeze3A_20, %shift_right_arithmetic3A_64 : i32
    %shift_left3A_66 = arith.constant 7 : i32
    %shift_left3A_67 = arith.shli %shift_right_arithmetic3A_65, %shift_left3A_66 : i32
    %multiple_of3A_68 = tpu.assume_multiple %shift_left3A_67, 128 : i32
    %dma_start3A_69 = arith.constant 1 : i32
    %dma_start3A_70 = arith.constant 0 : i32
    %dma_start3A_71 = arith.constant 0 : i32
    %dma_start3A_72 = tpu.memref_slice %arg6[%dma_start3A_69, %dma_start3A_70, %dma_start3A_71] : memref<8x64x128xf32, #tpu.memory_space<vmem>> -> memref<1x64x128xf32, #tpu.memory_space<vmem>>
    %dma_start3A_73 = tpu.memref_squeeze %dma_start3A_72 : memref<1x64x128xf32, #tpu.memory_space<vmem>> -> memref<64x128xf32, #tpu.memory_space<vmem>>
    %dma_start3A_74 = arith.constant 0 : i32
    %dma_start3A_75 = tpu.memref_slice %arg3[%dma_start3A_74, %multiple_of3A_68] : memref<64x1000000xf32, #tpu.memory_space<hbm>> -> memref<64x128xf32, #tpu.memory_space<hbm>>
    %dma_start3A_76 = arith.constant 0 : i32
    %dma_start3A_77 = arith.constant 0 : i32
    %dma_start3A_78 = tpu.memref_slice %arg6[%dma_start3A_69, %dma_start3A_76, %dma_start3A_77] : memref<8x64x128xf32, #tpu.memory_space<vmem>> -> memref<1x64x128xf32, #tpu.memory_space<vmem>>
    %dma_start3A_79 = tpu.memref_squeeze %dma_start3A_78 : memref<1x64x128xf32, #tpu.memory_space<vmem>> -> memref<64x128xf32, #tpu.memory_space<vmem>>
    %dma_start3A_80 = arith.constant 0 : i32
    %dma_start3A_81 = tpu.memref_slice %arg3[%dma_start3A_80, %multiple_of3A_68] : memref<64x1000000xf32, #tpu.memory_space<hbm>> -> memref<64x128xf32, #tpu.memory_space<hbm>>
    tpu.enqueue_dma source(%dma_start3A_81 : memref<64x128xf32, #tpu.memory_space<hbm>>) target(%dma_start3A_79 : memref<64x128xf32, #tpu.memory_space<vmem>>) target_semaphore(%arg9 : memref<!tpu.dma_semaphore, #tpu.memory_space<semaphore_mem>>)
    %shift_right_arithmetic3A_82 = arith.constant 7 : i32
    %shift_right_arithmetic3A_83 = arith.shrsi %squeeze3A_22, %shift_right_arithmetic3A_82 : i32
    %shift_left3A_84 = arith.constant 7 : i32
    %shift_left3A_85 = arith.shli %shift_right_arithmetic3A_83, %shift_left3A_84 : i32
    %multiple_of3A_86 = tpu.assume_multiple %shift_left3A_85, 128 : i32
    %dma_start3A_87 = arith.constant 2 : i32
    %dma_start3A_88 = arith.constant 0 : i32
    %dma_start3A_89 = arith.constant 0 : i32
    %dma_start3A_90 = tpu.memref_slice %arg6[%dma_start3A_87, %dma_start3A_88, %dma_start3A_89] : memref<8x64x128xf32, #tpu.memory_space<vmem>> -> memref<1x64x128xf32, #tpu.memory_space<vmem>>
    %dma_start3A_91 = tpu.memref_squeeze %dma_start3A_90 : memref<1x64x128xf32, #tpu.memory_space<vmem>> -> memref<64x128xf32, #tpu.memory_space<vmem>>
    %dma_start3A_92 = arith.constant 0 : i32
    %dma_start3A_93 = tpu.memref_slice %arg3[%dma_start3A_92, %multiple_of3A_86] : memref<64x1000000xf32, #tpu.memory_space<hbm>> -> memref<64x128xf32, #tpu.memory_space<hbm>>
    %dma_start3A_94 = arith.constant 0 : i32
    %dma_start3A_95 = arith.constant 0 : i32
    %dma_start3A_96 = tpu.memref_slice %arg6[%dma_start3A_87, %dma_start3A_94, %dma_start3A_95] : memref<8x64x128xf32, #tpu.memory_space<vmem>> -> memref<1x64x128xf32, #tpu.memory_space<vmem>>
    %dma_start3A_97 = tpu.memref_squeeze %dma_start3A_96 : memref<1x64x128xf32, #tpu.memory_space<vmem>> -> memref<64x128xf32, #tpu.memory_space<vmem>>
    %dma_start3A_98 = arith.constant 0 : i32
    %dma_start3A_99 = tpu.memref_slice %arg3[%dma_start3A_98, %multiple_of3A_86] : memref<64x1000000xf32, #tpu.memory_space<hbm>> -> memref<64x128xf32, #tpu.memory_space<hbm>>
    tpu.enqueue_dma source(%dma_start3A_99 : memref<64x128xf32, #tpu.memory_space<hbm>>) target(%dma_start3A_97 : memref<64x128xf32, #tpu.memory_space<vmem>>) target_semaphore(%arg10 : memref<!tpu.dma_semaphore, #tpu.memory_space<semaphore_mem>>)
    %shift_right_arithmetic3A_100 = arith.constant 7 : i32
    %shift_right_arithmetic3A_101 = arith.shrsi %squeeze3A_24, %shift_right_arithmetic3A_100 : i32
    %shift_left3A_102 = arith.constant 7 : i32
    %shift_left3A_103 = arith.shli %shift_right_arithmetic3A_101, %shift_left3A_102 : i32
    %multiple_of3A_104 = tpu.assume_multiple %shift_left3A_103, 128 : i32
    %dma_start3A_105 = arith.constant 3 : i32
    %dma_start3A_106 = arith.constant 0 : i32
    %dma_start3A_107 = arith.constant 0 : i32
    %dma_start3A_108 = tpu.memref_slice %arg6[%dma_start3A_105, %dma_start3A_106, %dma_start3A_107] : memref<8x64x128xf32, #tpu.memory_space<vmem>> -> memref<1x64x128xf32, #tpu.memory_space<vmem>>
    %dma_start3A_109 = tpu.memref_squeeze %dma_start3A_108 : memref<1x64x128xf32, #tpu.memory_space<vmem>> -> memref<64x128xf32, #tpu.memory_space<vmem>>
    %dma_start3A_110 = arith.constant 0 : i32
    %dma_start3A_111 = tpu.memref_slice %arg3[%dma_start3A_110, %multiple_of3A_104] : memref<64x1000000xf32, #tpu.memory_space<hbm>> -> memref<64x128xf32, #tpu.memory_space<hbm>>
    %dma_start3A_112 = arith.constant 0 : i32
    %dma_start3A_113 = arith.constant 0 : i32
    %dma_start3A_114 = tpu.memref_slice %arg6[%dma_start3A_105, %dma_start3A_112, %dma_start3A_113] : memref<8x64x128xf32, #tpu.memory_space<vmem>> -> memref<1x64x128xf32, #tpu.memory_space<vmem>>
    %dma_start3A_115 = tpu.memref_squeeze %dma_start3A_114 : memref<1x64x128xf32, #tpu.memory_space<vmem>> -> memref<64x128xf32, #tpu.memory_space<vmem>>
    %dma_start3A_116 = arith.constant 0 : i32
    %dma_start3A_117 = tpu.memref_slice %arg3[%dma_start3A_116, %multiple_of3A_104] : memref<64x1000000xf32, #tpu.memory_space<hbm>> -> memref<64x128xf32, #tpu.memory_space<hbm>>
    tpu.enqueue_dma source(%dma_start3A_117 : memref<64x128xf32, #tpu.memory_space<hbm>>) target(%dma_start3A_115 : memref<64x128xf32, #tpu.memory_space<vmem>>) target_semaphore(%arg11 : memref<!tpu.dma_semaphore, #tpu.memory_space<semaphore_mem>>)
    %shift_right_arithmetic3A_118 = arith.constant 7 : i32
    %shift_right_arithmetic3A_119 = arith.shrsi %squeeze3A_26, %shift_right_arithmetic3A_118 : i32
    %shift_left3A_120 = arith.constant 7 : i32
    %shift_left3A_121 = arith.shli %shift_right_arithmetic3A_119, %shift_left3A_120 : i32
    %multiple_of3A_122 = tpu.assume_multiple %shift_left3A_121, 128 : i32
    %dma_start3A_123 = arith.constant 4 : i32
    %dma_start3A_124 = arith.constant 0 : i32
    %dma_start3A_125 = arith.constant 0 : i32
    %dma_start3A_126 = tpu.memref_slice %arg6[%dma_start3A_123, %dma_start3A_124, %dma_start3A_125] : memref<8x64x128xf32, #tpu.memory_space<vmem>> -> memref<1x64x128xf32, #tpu.memory_space<vmem>>
    %dma_start3A_127 = tpu.memref_squeeze %dma_start3A_126 : memref<1x64x128xf32, #tpu.memory_space<vmem>> -> memref<64x128xf32, #tpu.memory_space<vmem>>
    %dma_start3A_128 = arith.constant 0 : i32
    %dma_start3A_129 = tpu.memref_slice %arg3[%dma_start3A_128, %multiple_of3A_122] : memref<64x1000000xf32, #tpu.memory_space<hbm>> -> memref<64x128xf32, #tpu.memory_space<hbm>>
    %dma_start3A_130 = arith.constant 0 : i32
    %dma_start3A_131 = arith.constant 0 : i32
    %dma_start3A_132 = tpu.memref_slice %arg6[%dma_start3A_123, %dma_start3A_130, %dma_start3A_131] : memref<8x64x128xf32, #tpu.memory_space<vmem>> -> memref<1x64x128xf32, #tpu.memory_space<vmem>>
    %dma_start3A_133 = tpu.memref_squeeze %dma_start3A_132 : memref<1x64x128xf32, #tpu.memory_space<vmem>> -> memref<64x128xf32, #tpu.memory_space<vmem>>
    %dma_start3A_134 = arith.constant 0 : i32
    %dma_start3A_135 = tpu.memref_slice %arg3[%dma_start3A_134, %multiple_of3A_122] : memref<64x1000000xf32, #tpu.memory_space<hbm>> -> memref<64x128xf32, #tpu.memory_space<hbm>>
    tpu.enqueue_dma source(%dma_start3A_135 : memref<64x128xf32, #tpu.memory_space<hbm>>) target(%dma_start3A_133 : memref<64x128xf32, #tpu.memory_space<vmem>>) target_semaphore(%arg12 : memref<!tpu.dma_semaphore, #tpu.memory_space<semaphore_mem>>)
    %shift_right_arithmetic3A_136 = arith.constant 7 : i32
    %shift_right_arithmetic3A_137 = arith.shrsi %squeeze3A_28, %shift_right_arithmetic3A_136 : i32
    %shift_left3A_138 = arith.constant 7 : i32
    %shift_left3A_139 = arith.shli %shift_right_arithmetic3A_137, %shift_left3A_138 : i32
    %multiple_of3A_140 = tpu.assume_multiple %shift_left3A_139, 128 : i32
    %dma_start3A_141 = arith.constant 5 : i32
    %dma_start3A_142 = arith.constant 0 : i32
    %dma_start3A_143 = arith.constant 0 : i32
    %dma_start3A_144 = tpu.memref_slice %arg6[%dma_start3A_141, %dma_start3A_142, %dma_start3A_143] : memref<8x64x128xf32, #tpu.memory_space<vmem>> -> memref<1x64x128xf32, #tpu.memory_space<vmem>>
    %dma_start3A_145 = tpu.memref_squeeze %dma_start3A_144 : memref<1x64x128xf32, #tpu.memory_space<vmem>> -> memref<64x128xf32, #tpu.memory_space<vmem>>
    %dma_start3A_146 = arith.constant 0 : i32
    %dma_start3A_147 = tpu.memref_slice %arg3[%dma_start3A_146, %multiple_of3A_140] : memref<64x1000000xf32, #tpu.memory_space<hbm>> -> memref<64x128xf32, #tpu.memory_space<hbm>>
    %dma_start3A_148 = arith.constant 0 : i32
    %dma_start3A_149 = arith.constant 0 : i32
    %dma_start3A_150 = tpu.memref_slice %arg6[%dma_start3A_141, %dma_start3A_148, %dma_start3A_149] : memref<8x64x128xf32, #tpu.memory_space<vmem>> -> memref<1x64x128xf32, #tpu.memory_space<vmem>>
    %dma_start3A_151 = tpu.memref_squeeze %dma_start3A_150 : memref<1x64x128xf32, #tpu.memory_space<vmem>> -> memref<64x128xf32, #tpu.memory_space<vmem>>
    %dma_start3A_152 = arith.constant 0 : i32
    %dma_start3A_153 = tpu.memref_slice %arg3[%dma_start3A_152, %multiple_of3A_140] : memref<64x1000000xf32, #tpu.memory_space<hbm>> -> memref<64x128xf32, #tpu.memory_space<hbm>>
    tpu.enqueue_dma source(%dma_start3A_153 : memref<64x128xf32, #tpu.memory_space<hbm>>) target(%dma_start3A_151 : memref<64x128xf32, #tpu.memory_space<vmem>>) target_semaphore(%arg13 : memref<!tpu.dma_semaphore, #tpu.memory_space<semaphore_mem>>)
    %shift_right_arithmetic3A_154 = arith.constant 7 : i32
    %shift_right_arithmetic3A_155 = arith.shrsi %squeeze3A_30, %shift_right_arithmetic3A_154 : i32
    %shift_left3A_156 = arith.constant 7 : i32
    %shift_left3A_157 = arith.shli %shift_right_arithmetic3A_155, %shift_left3A_156 : i32
    %multiple_of3A_158 = tpu.assume_multiple %shift_left3A_157, 128 : i32
    %dma_start3A_159 = arith.constant 6 : i32
    %dma_start3A_160 = arith.constant 0 : i32
    %dma_start3A_161 = arith.constant 0 : i32
    %dma_start3A_162 = tpu.memref_slice %arg6[%dma_start3A_159, %dma_start3A_160, %dma_start3A_161] : memref<8x64x128xf32, #tpu.memory_space<vmem>> -> memref<1x64x128xf32, #tpu.memory_space<vmem>>
    %dma_start3A_163 = tpu.memref_squeeze %dma_start3A_162 : memref<1x64x128xf32, #tpu.memory_space<vmem>> -> memref<64x128xf32, #tpu.memory_space<vmem>>
    %dma_start3A_164 = arith.constant 0 : i32
    %dma_start3A_165 = tpu.memref_slice %arg3[%dma_start3A_164, %multiple_of3A_158] : memref<64x1000000xf32, #tpu.memory_space<hbm>> -> memref<64x128xf32, #tpu.memory_space<hbm>>
    %dma_start3A_166 = arith.constant 0 : i32
    %dma_start3A_167 = arith.constant 0 : i32
    %dma_start3A_168 = tpu.memref_slice %arg6[%dma_start3A_159, %dma_start3A_166, %dma_start3A_167] : memref<8x64x128xf32, #tpu.memory_space<vmem>> -> memref<1x64x128xf32, #tpu.memory_space<vmem>>
    %dma_start3A_169 = tpu.memref_squeeze %dma_start3A_168 : memref<1x64x128xf32, #tpu.memory_space<vmem>> -> memref<64x128xf32, #tpu.memory_space<vmem>>
    %dma_start3A_170 = arith.constant 0 : i32
    %dma_start3A_171 = tpu.memref_slice %arg3[%dma_start3A_170, %multiple_of3A_158] : memref<64x1000000xf32, #tpu.memory_space<hbm>> -> memref<64x128xf32, #tpu.memory_space<hbm>>
    tpu.enqueue_dma source(%dma_start3A_171 : memref<64x128xf32, #tpu.memory_space<hbm>>) target(%dma_start3A_169 : memref<64x128xf32, #tpu.memory_space<vmem>>) target_semaphore(%arg14 : memref<!tpu.dma_semaphore, #tpu.memory_space<semaphore_mem>>)
    %shift_right_arithmetic3A_172 = arith.constant 7 : i32
    %shift_right_arithmetic3A_173 = arith.shrsi %squeeze3A_32, %shift_right_arithmetic3A_172 : i32
    %shift_left3A_174 = arith.constant 7 : i32
    %shift_left3A_175 = arith.shli %shift_right_arithmetic3A_173, %shift_left3A_174 : i32
    %multiple_of3A_176 = tpu.assume_multiple %shift_left3A_175, 128 : i32
    %dma_start3A_177 = arith.constant 7 : i32
    %dma_start3A_178 = arith.constant 0 : i32
    %dma_start3A_179 = arith.constant 0 : i32
    %dma_start3A_180 = tpu.memref_slice %arg6[%dma_start3A_177, %dma_start3A_178, %dma_start3A_179] : memref<8x64x128xf32, #tpu.memory_space<vmem>> -> memref<1x64x128xf32, #tpu.memory_space<vmem>>
    %dma_start3A_181 = tpu.memref_squeeze %dma_start3A_180 : memref<1x64x128xf32, #tpu.memory_space<vmem>> -> memref<64x128xf32, #tpu.memory_space<vmem>>
    %dma_start3A_182 = arith.constant 0 : i32
    %dma_start3A_183 = tpu.memref_slice %arg3[%dma_start3A_182, %multiple_of3A_176] : memref<64x1000000xf32, #tpu.memory_space<hbm>> -> memref<64x128xf32, #tpu.memory_space<hbm>>
    %dma_start3A_184 = arith.constant 0 : i32
    %dma_start3A_185 = arith.constant 0 : i32
    %dma_start3A_186 = tpu.memref_slice %arg6[%dma_start3A_177, %dma_start3A_184, %dma_start3A_185] : memref<8x64x128xf32, #tpu.memory_space<vmem>> -> memref<1x64x128xf32, #tpu.memory_space<vmem>>
    %dma_start3A_187 = tpu.memref_squeeze %dma_start3A_186 : memref<1x64x128xf32, #tpu.memory_space<vmem>> -> memref<64x128xf32, #tpu.memory_space<vmem>>
    %dma_start3A_188 = arith.constant 0 : i32
    %dma_start3A_189 = tpu.memref_slice %arg3[%dma_start3A_188, %multiple_of3A_176] : memref<64x1000000xf32, #tpu.memory_space<hbm>> -> memref<64x128xf32, #tpu.memory_space<hbm>>
    tpu.enqueue_dma source(%dma_start3A_189 : memref<64x128xf32, #tpu.memory_space<hbm>>) target(%dma_start3A_187 : memref<64x128xf32, #tpu.memory_space<vmem>>) target_semaphore(%arg15 : memref<!tpu.dma_semaphore, #tpu.memory_space<semaphore_mem>>)
    %scan3A = arith.constant 0 : i32
    %scan3A_190 = arith.constant 32 : i32
    %scan3A_191 = arith.addi %scan3A, %scan3A_190 : i32
    %scan3A_192 = arith.constant 1 : i32
    %scan3A_193:16 = scf.for %scan3A_195 = %scan3A to %scan3A_191 step %scan3A_192 iter_args(%scan3A_196 = %squeeze3A, %scan3A_197 = %squeeze3A_20, %scan3A_198 = %squeeze3A_22, %scan3A_199 = %squeeze3A_24, %scan3A_200 = %squeeze3A_26, %scan3A_201 = %squeeze3A_28, %scan3A_202 = %squeeze3A_30, %scan3A_203 = %squeeze3A_32, %scan3A_204 = %squeeze3A_34, %scan3A_205 = %squeeze3A_36, %scan3A_206 = %squeeze3A_38, %scan3A_207 = %squeeze3A_40, %scan3A_208 = %squeeze3A_42, %scan3A_209 = %squeeze3A_44, %scan3A_210 = %squeeze3A_46, %scan3A_211 = %squeeze3A_48) -> (i32, i32, i32, i32, i32, i32, i32, i32, i32, i32, i32, i32, i32, i32, i32, i32)  : i32 {
      %mul3A_212 = arith.constant 16 : i32
      %mul3A_213 = arith.muli %scan3A_195, %mul3A_212 : i32
      %multiple_of3A_214 = tpu.assume_multiple %mul3A_213, 16 : i32
      %dma_wait3A = arith.constant 0 : i32
      %dma_wait3A_215 = arith.constant 0 : i32
      %dma_wait3A_216 = arith.constant 0 : i32
      %dma_wait3A_217 = tpu.memref_slice %arg6[%dma_wait3A, %dma_wait3A_215, %dma_wait3A_216] : memref<8x64x128xf32, #tpu.memory_space<vmem>> -> memref<1x64x128xf32, #tpu.memory_space<vmem>>
      %dma_wait3A_218 = tpu.memref_squeeze %dma_wait3A_217 : memref<1x64x128xf32, #tpu.memory_space<vmem>> -> memref<64x128xf32, #tpu.memory_space<vmem>>
      %dma_wait3A_219 = arith.constant 0 : i32
      %dma_wait3A_220 = arith.constant 0 : i32
      %dma_wait3A_221 = tpu.memref_slice %arg3[%dma_wait3A_219, %dma_wait3A_220] : memref<64x1000000xf32, #tpu.memory_space<hbm>> -> memref<64x128xf32, #tpu.memory_space<hbm>>
      %dma_wait3A_222 = arith.constant 0 : i32
      %dma_wait3A_223 = arith.constant 0 : i32
      %dma_wait3A_224 = tpu.memref_slice %arg6[%dma_wait3A, %dma_wait3A_222, %dma_wait3A_223] : memref<8x64x128xf32, #tpu.memory_space<vmem>> -> memref<1x64x128xf32, #tpu.memory_space<vmem>>
      %dma_wait3A_225 = tpu.memref_squeeze %dma_wait3A_224 : memref<1x64x128xf32, #tpu.memory_space<vmem>> -> memref<64x128xf32, #tpu.memory_space<vmem>>
      %dma_wait3A_226 = arith.constant 0 : i32
      %dma_wait3A_227 = arith.constant 0 : i32
      %dma_wait3A_228 = tpu.memref_slice %arg3[%dma_wait3A_226, %dma_wait3A_227] : memref<64x1000000xf32, #tpu.memory_space<hbm>> -> memref<64x128xf32, #tpu.memory_space<hbm>>
      tpu.wait_dma2 semaphore(%arg8 : memref<!tpu.dma_semaphore, #tpu.memory_space<semaphore_mem>>) src(%dma_wait3A_228 : memref<64x128xf32, #tpu.memory_space<hbm>>) dst(%dma_wait3A_225 : memref<64x128xf32, #tpu.memory_space<vmem>>)
      %add3A_229 = arith.constant 0 : i32
      %add3A_230 = arith.addi %multiple_of3A_214, %add3A_229 : i32
      %and3A = arith.constant 127 : i32
      %and3A_231 = arith.andi %scan3A_196, %and3A : i32
      %broadcast_in_dim3A = vector.broadcast %and3A_231 : i32 to vector<16xi32>
      %broadcast_in_dim3A_232 = vector.broadcast %add3A_230 : i32 to vector<16xi32>
      %gather3A = arith.constant 0 : i32
      %gather3A_233 = arith.constant 0 : i32
      %gather3A_234 = arith.constant 0 : i32
      %gather3A_235 = tpu.memref_slice %arg6[%gather3A, %gather3A_233, %gather3A_234] : memref<8x64x128xf32, #tpu.memory_space<vmem>> -> memref<1x64x128xf32, #tpu.memory_space<vmem>>
      %gather3A_236 = tpu.memref_squeeze %gather3A_235 : memref<1x64x128xf32, #tpu.memory_space<vmem>> -> memref<64x128xf32, #tpu.memory_space<vmem>>
      %gather3A_237 = tpu.vector_load_idx %gather3A_236[%add3A_5, %broadcast_in_dim3A] : memref<64x128xf32, #tpu.memory_space<vmem>>[vector<16xi32>, vector<16xi32>], vector<16xf32>,
      tpu.vector_store_idx %arg7[%add3A_5, %broadcast_in_dim3A_232], %gather3A_237 : memref<64x512xf32, #tpu.memory_space<vmem>>[vector<16xi32>, vector<16xi32>], vector<16xf32>,
      %gather3A_238 = arith.constant 0 : i32
      %gather3A_239 = arith.constant 0 : i32
      %gather3A_240 = arith.constant 0 : i32
      %gather3A_241 = tpu.memref_slice %arg6[%gather3A_238, %gather3A_239, %gather3A_240] : memref<8x64x128xf32, #tpu.memory_space<vmem>> -> memref<1x64x128xf32, #tpu.memory_space<vmem>>
      %gather3A_242 = tpu.memref_squeeze %gather3A_241 : memref<1x64x128xf32, #tpu.memory_space<vmem>> -> memref<64x128xf32, #tpu.memory_space<vmem>>
      %gather3A_243 = tpu.vector_load_idx %gather3A_242[%add3A_9, %broadcast_in_dim3A] : memref<64x128xf32, #tpu.memory_space<vmem>>[vector<16xi32>, vector<16xi32>], vector<16xf32>,
      tpu.vector_store_idx %arg7[%add3A_9, %broadcast_in_dim3A_232], %gather3A_243 : memref<64x512xf32, #tpu.memory_space<vmem>>[vector<16xi32>, vector<16xi32>], vector<16xf32>,
      %gather3A_244 = arith.constant 0 : i32
      %gather3A_245 = arith.constant 0 : i32
      %gather3A_246 = arith.constant 0 : i32
      %gather3A_247 = tpu.memref_slice %arg6[%gather3A_244, %gather3A_245, %gather3A_246] : memref<8x64x128xf32, #tpu.memory_space<vmem>> -> memref<1x64x128xf32, #tpu.memory_space<vmem>>
      %gather3A_248 = tpu.memref_squeeze %gather3A_247 : memref<1x64x128xf32, #tpu.memory_space<vmem>> -> memref<64x128xf32, #tpu.memory_space<vmem>>
      %gather3A_249 = tpu.vector_load_idx %gather3A_248[%add3A_13, %broadcast_in_dim3A] : memref<64x128xf32, #tpu.memory_space<vmem>>[vector<16xi32>, vector<16xi32>], vector<16xf32>,
      tpu.vector_store_idx %arg7[%add3A_13, %broadcast_in_dim3A_232], %gather3A_249 : memref<64x512xf32, #tpu.memory_space<vmem>>[vector<16xi32>, vector<16xi32>], vector<16xf32>,
      %gather3A_250 = arith.constant 0 : i32
      %gather3A_251 = arith.constant 0 : i32
      %gather3A_252 = arith.constant 0 : i32
      %gather3A_253 = tpu.memref_slice %arg6[%gather3A_250, %gather3A_251, %gather3A_252] : memref<8x64x128xf32, #tpu.memory_space<vmem>> -> memref<1x64x128xf32, #tpu.memory_space<vmem>>
      %gather3A_254 = tpu.memref_squeeze %gather3A_253 : memref<1x64x128xf32, #tpu.memory_space<vmem>> -> memref<64x128xf32, #tpu.memory_space<vmem>>
      %gather3A_255 = tpu.vector_load_idx %gather3A_254[%add3A_17, %broadcast_in_dim3A] : memref<64x128xf32, #tpu.memory_space<vmem>>[vector<16xi32>, vector<16xi32>], vector<16xf32>,
      tpu.vector_store_idx %arg7[%add3A_17, %broadcast_in_dim3A_232], %gather3A_255 : memref<64x512xf32, #tpu.memory_space<vmem>>[vector<16xi32>, vector<16xi32>], vector<16xf32>,
      %shift_right_arithmetic3A_256 = arith.constant 7 : i32
      %shift_right_arithmetic3A_257 = arith.shrsi %scan3A_204, %shift_right_arithmetic3A_256 : i32
      %shift_left3A_258 = arith.constant 7 : i32
      %shift_left3A_259 = arith.shli %shift_right_arithmetic3A_257, %shift_left3A_258 : i32
      %multiple_of3A_260 = tpu.assume_multiple %shift_left3A_259, 128 : i32
      %dma_start3A_261 = arith.constant 0 : i32
      %dma_start3A_262 = arith.constant 0 : i32
      %dma_start3A_263 = arith.constant 0 : i32
      %dma_start3A_264 = tpu.memref_slice %arg6[%dma_start3A_261, %dma_start3A_262, %dma_start3A_263] : memref<8x64x128xf32, #tpu.memory_space<vmem>> -> memref<1x64x128xf32, #tpu.memory_space<vmem>>
      %dma_start3A_265 = tpu.memref_squeeze %dma_start3A_264 : memref<1x64x128xf32, #tpu.memory_space<vmem>> -> memref<64x128xf32, #tpu.memory_space<vmem>>
      %dma_start3A_266 = arith.constant 0 : i32
      %dma_start3A_267 = tpu.memref_slice %arg3[%dma_start3A_266, %multiple_of3A_260] : memref<64x1000000xf32, #tpu.memory_space<hbm>> -> memref<64x128xf32, #tpu.memory_space<hbm>>
      %dma_start3A_268 = arith.constant 0 : i32
      %dma_start3A_269 = arith.constant 0 : i32
      %dma_start3A_270 = tpu.memref_slice %arg6[%dma_start3A_261, %dma_start3A_268, %dma_start3A_269] : memref<8x64x128xf32, #tpu.memory_space<vmem>> -> memref<1x64x128xf32, #tpu.memory_space<vmem>>
      %dma_start3A_271 = tpu.memref_squeeze %dma_start3A_270 : memref<1x64x128xf32, #tpu.memory_space<vmem>> -> memref<64x128xf32, #tpu.memory_space<vmem>>
      %dma_start3A_272 = arith.constant 0 : i32
      %dma_start3A_273 = tpu.memref_slice %arg3[%dma_start3A_272, %multiple_of3A_260] : memref<64x1000000xf32, #tpu.memory_space<hbm>> -> memref<64x128xf32, #tpu.memory_space<hbm>>
      tpu.enqueue_dma source(%dma_start3A_273 : memref<64x128xf32, #tpu.memory_space<hbm>>) target(%dma_start3A_271 : memref<64x128xf32, #tpu.memory_space<vmem>>) target_semaphore(%arg8 : memref<!tpu.dma_semaphore, #tpu.memory_space<semaphore_mem>>)
      %dma_wait3A_274 = arith.constant 1 : i32
      %dma_wait3A_275 = arith.constant 0 : i32
      %dma_wait3A_276 = arith.constant 0 : i32
      %dma_wait3A_277 = tpu.memref_slice %arg6[%dma_wait3A_274, %dma_wait3A_275, %dma_wait3A_276] : memref<8x64x128xf32, #tpu.memory_space<vmem>> -> memref<1x64x128xf32, #tpu.memory_space<vmem>>
      %dma_wait3A_278 = tpu.memref_squeeze %dma_wait3A_277 : memref<1x64x128xf32, #tpu.memory_space<vmem>> -> memref<64x128xf32, #tpu.memory_space<vmem>>
      %dma_wait3A_279 = arith.constant 0 : i32
      %dma_wait3A_280 = arith.constant 0 : i32
      %dma_wait3A_281 = tpu.memref_slice %arg3[%dma_wait3A_279, %dma_wait3A_280] : memref<64x1000000xf32, #tpu.memory_space<hbm>> -> memref<64x128xf32, #tpu.memory_space<hbm>>
      %dma_wait3A_282 = arith.constant 0 : i32
      %dma_wait3A_283 = arith.constant 0 : i32
      %dma_wait3A_284 = tpu.memref_slice %arg6[%dma_wait3A_274, %dma_wait3A_282, %dma_wait3A_283] : memref<8x64x128xf32, #tpu.memory_space<vmem>> -> memref<1x64x128xf32, #tpu.memory_space<vmem>>
      %dma_wait3A_285 = tpu.memref_squeeze %dma_wait3A_284 : memref<1x64x128xf32, #tpu.memory_space<vmem>> -> memref<64x128xf32, #tpu.memory_space<vmem>>
      %dma_wait3A_286 = arith.constant 0 : i32
      %dma_wait3A_287 = arith.constant 0 : i32
      %dma_wait3A_288 = tpu.memref_slice %arg3[%dma_wait3A_286, %dma_wait3A_287] : memref<64x1000000xf32, #tpu.memory_space<hbm>> -> memref<64x128xf32, #tpu.memory_space<hbm>>
      tpu.wait_dma2 semaphore(%arg9 : memref<!tpu.dma_semaphore, #tpu.memory_space<semaphore_mem>>) src(%dma_wait3A_288 : memref<64x128xf32, #tpu.memory_space<hbm>>) dst(%dma_wait3A_285 : memref<64x128xf32, #tpu.memory_space<vmem>>)
      %add3A_289 = arith.constant 1 : i32
      %add3A_290 = arith.addi %multiple_of3A_214, %add3A_289 : i32
      %and3A_291 = arith.constant 127 : i32
      %and3A_292 = arith.andi %scan3A_197, %and3A_291 : i32
      %broadcast_in_dim3A_293 = vector.broadcast %and3A_292 : i32 to vector<16xi32>
      %broadcast_in_dim3A_294 = vector.broadcast %add3A_290 : i32 to vector<16xi32>
      %gather3A_295 = arith.constant 1 : i32
      %gather3A_296 = arith.constant 0 : i32
      %gather3A_297 = arith.constant 0 : i32
      %gather3A_298 = tpu.memref_slice %arg6[%gather3A_295, %gather3A_296, %gather3A_297] : memref<8x64x128xf32, #tpu.memory_space<vmem>> -> memref<1x64x128xf32, #tpu.memory_space<vmem>>
      %gather3A_299 = tpu.memref_squeeze %gather3A_298 : memref<1x64x128xf32, #tpu.memory_space<vmem>> -> memref<64x128xf32, #tpu.memory_space<vmem>>
      %gather3A_300 = tpu.vector_load_idx %gather3A_299[%add3A_5, %broadcast_in_dim3A_293] : memref<64x128xf32, #tpu.memory_space<vmem>>[vector<16xi32>, vector<16xi32>], vector<16xf32>,
      tpu.vector_store_idx %arg7[%add3A_5, %broadcast_in_dim3A_294], %gather3A_300 : memref<64x512xf32, #tpu.memory_space<vmem>>[vector<16xi32>, vector<16xi32>], vector<16xf32>,
      %gather3A_301 = arith.constant 1 : i32
      %gather3A_302 = arith.constant 0 : i32
      %gather3A_303 = arith.constant 0 : i32
      %gather3A_304 = tpu.memref_slice %arg6[%gather3A_301, %gather3A_302, %gather3A_303] : memref<8x64x128xf32, #tpu.memory_space<vmem>> -> memref<1x64x128xf32, #tpu.memory_space<vmem>>
      %gather3A_305 = tpu.memref_squeeze %gather3A_304 : memref<1x64x128xf32, #tpu.memory_space<vmem>> -> memref<64x128xf32, #tpu.memory_space<vmem>>
      %gather3A_306 = tpu.vector_load_idx %gather3A_305[%add3A_9, %broadcast_in_dim3A_293] : memref<64x128xf32, #tpu.memory_space<vmem>>[vector<16xi32>, vector<16xi32>], vector<16xf32>,
      tpu.vector_store_idx %arg7[%add3A_9, %broadcast_in_dim3A_294], %gather3A_306 : memref<64x512xf32, #tpu.memory_space<vmem>>[vector<16xi32>, vector<16xi32>], vector<16xf32>,
      %gather3A_307 = arith.constant 1 : i32
      %gather3A_308 = arith.constant 0 : i32
      %gather3A_309 = arith.constant 0 : i32
      %gather3A_310 = tpu.memref_slice %arg6[%gather3A_307, %gather3A_308, %gather3A_309] : memref<8x64x128xf32, #tpu.memory_space<vmem>> -> memref<1x64x128xf32, #tpu.memory_space<vmem>>
      %gather3A_311 = tpu.memref_squeeze %gather3A_310 : memref<1x64x128xf32, #tpu.memory_space<vmem>> -> memref<64x128xf32, #tpu.memory_space<vmem>>
      %gather3A_312 = tpu.vector_load_idx %gather3A_311[%add3A_13, %broadcast_in_dim3A_293] : memref<64x128xf32, #tpu.memory_space<vmem>>[vector<16xi32>, vector<16xi32>], vector<16xf32>,
      tpu.vector_store_idx %arg7[%add3A_13, %broadcast_in_dim3A_294], %gather3A_312 : memref<64x512xf32, #tpu.memory_space<vmem>>[vector<16xi32>, vector<16xi32>], vector<16xf32>,
      %gather3A_313 = arith.constant 1 : i32
      %gather3A_314 = arith.constant 0 : i32
      %gather3A_315 = arith.constant 0 : i32
      %gather3A_316 = tpu.memref_slice %arg6[%gather3A_313, %gather3A_314, %gather3A_315] : memref<8x64x128xf32, #tpu.memory_space<vmem>> -> memref<1x64x128xf32, #tpu.memory_space<vmem>>
      %gather3A_317 = tpu.memref_squeeze %gather3A_316 : memref<1x64x128xf32, #tpu.memory_space<vmem>> -> memref<64x128xf32, #tpu.memory_space<vmem>>
      %gather3A_318 = tpu.vector_load_idx %gather3A_317[%add3A_17, %broadcast_in_dim3A_293] : memref<64x128xf32, #tpu.memory_space<vmem>>[vector<16xi32>, vector<16xi32>], vector<16xf32>,
      tpu.vector_store_idx %arg7[%add3A_17, %broadcast_in_dim3A_294], %gather3A_318 : memref<64x512xf32, #tpu.memory_space<vmem>>[vector<16xi32>, vector<16xi32>], vector<16xf32>,
      %shift_right_arithmetic3A_319 = arith.constant 7 : i32
      %shift_right_arithmetic3A_320 = arith.shrsi %scan3A_205, %shift_right_arithmetic3A_319 : i32
      %shift_left3A_321 = arith.constant 7 : i32
      %shift_left3A_322 = arith.shli %shift_right_arithmetic3A_320, %shift_left3A_321 : i32
      %multiple_of3A_323 = tpu.assume_multiple %shift_left3A_322, 128 : i32
      %dma_start3A_324 = arith.constant 1 : i32
      %dma_start3A_325 = arith.constant 0 : i32
      %dma_start3A_326 = arith.constant 0 : i32
      %dma_start3A_327 = tpu.memref_slice %arg6[%dma_start3A_324, %dma_start3A_325, %dma_start3A_326] : memref<8x64x128xf32, #tpu.memory_space<vmem>> -> memref<1x64x128xf32, #tpu.memory_space<vmem>>
      %dma_start3A_328 = tpu.memref_squeeze %dma_start3A_327 : memref<1x64x128xf32, #tpu.memory_space<vmem>> -> memref<64x128xf32, #tpu.memory_space<vmem>>
      %dma_start3A_329 = arith.constant 0 : i32
      %dma_start3A_330 = tpu.memref_slice %arg3[%dma_start3A_329, %multiple_of3A_323] : memref<64x1000000xf32, #tpu.memory_space<hbm>> -> memref<64x128xf32, #tpu.memory_space<hbm>>
      %dma_start3A_331 = arith.constant 0 : i32
      %dma_start3A_332 = arith.constant 0 : i32
      %dma_start3A_333 = tpu.memref_slice %arg6[%dma_start3A_324, %dma_start3A_331, %dma_start3A_332] : memref<8x64x128xf32, #tpu.memory_space<vmem>> -> memref<1x64x128xf32, #tpu.memory_space<vmem>>
      %dma_start3A_334 = tpu.memref_squeeze %dma_start3A_333 : memref<1x64x128xf32, #tpu.memory_space<vmem>> -> memref<64x128xf32, #tpu.memory_space<vmem>>
      %dma_start3A_335 = arith.constant 0 : i32
      %dma_start3A_336 = tpu.memref_slice %arg3[%dma_start3A_335, %multiple_of3A_323] : memref<64x1000000xf32, #tpu.memory_space<hbm>> -> memref<64x128xf32, #tpu.memory_space<hbm>>
      tpu.enqueue_dma source(%dma_start3A_336 : memref<64x128xf32, #tpu.memory_space<hbm>>) target(%dma_start3A_334 : memref<64x128xf32, #tpu.memory_space<vmem>>) target_semaphore(%arg9 : memref<!tpu.dma_semaphore, #tpu.memory_space<semaphore_mem>>)
      %dma_wait3A_337 = arith.constant 2 : i32
      %dma_wait3A_338 = arith.constant 0 : i32
      %dma_wait3A_339 = arith.constant 0 : i32
      %dma_wait3A_340 = tpu.memref_slice %arg6[%dma_wait3A_337, %dma_wait3A_338, %dma_wait3A_339] : memref<8x64x128xf32, #tpu.memory_space<vmem>> -> memref<1x64x128xf32, #tpu.memory_space<vmem>>
      %dma_wait3A_341 = tpu.memref_squeeze %dma_wait3A_340 : memref<1x64x128xf32, #tpu.memory_space<vmem>> -> memref<64x128xf32, #tpu.memory_space<vmem>>
      %dma_wait3A_342 = arith.constant 0 : i32
      %dma_wait3A_343 = arith.constant 0 : i32
      %dma_wait3A_344 = tpu.memref_slice %arg3[%dma_wait3A_342, %dma_wait3A_343] : memref<64x1000000xf32, #tpu.memory_space<hbm>> -> memref<64x128xf32, #tpu.memory_space<hbm>>
      %dma_wait3A_345 = arith.constant 0 : i32
      %dma_wait3A_346 = arith.constant 0 : i32
      %dma_wait3A_347 = tpu.memref_slice %arg6[%dma_wait3A_337, %dma_wait3A_345, %dma_wait3A_346] : memref<8x64x128xf32, #tpu.memory_space<vmem>> -> memref<1x64x128xf32, #tpu.memory_space<vmem>>
      %dma_wait3A_348 = tpu.memref_squeeze %dma_wait3A_347 : memref<1x64x128xf32, #tpu.memory_space<vmem>> -> memref<64x128xf32, #tpu.memory_space<vmem>>
      %dma_wait3A_349 = arith.constant 0 : i32
      %dma_wait3A_350 = arith.constant 0 : i32
      %dma_wait3A_351 = tpu.memref_slice %arg3[%dma_wait3A_349, %dma_wait3A_350] : memref<64x1000000xf32, #tpu.memory_space<hbm>> -> memref<64x128xf32, #tpu.memory_space<hbm>>
      tpu.wait_dma2 semaphore(%arg10 : memref<!tpu.dma_semaphore, #tpu.memory_space<semaphore_mem>>) src(%dma_wait3A_351 : memref<64x128xf32, #tpu.memory_space<hbm>>) dst(%dma_wait3A_348 : memref<64x128xf32, #tpu.memory_space<vmem>>)
      %add3A_352 = arith.constant 2 : i32
      %add3A_353 = arith.addi %multiple_of3A_214, %add3A_352 : i32
      %and3A_354 = arith.constant 127 : i32
      %and3A_355 = arith.andi %scan3A_198, %and3A_354 : i32
      %broadcast_in_dim3A_356 = vector.broadcast %and3A_355 : i32 to vector<16xi32>
      %broadcast_in_dim3A_357 = vector.broadcast %add3A_353 : i32 to vector<16xi32>
      %gather3A_358 = arith.constant 2 : i32
      %gather3A_359 = arith.constant 0 : i32
      %gather3A_360 = arith.constant 0 : i32
      %gather3A_361 = tpu.memref_slice %arg6[%gather3A_358, %gather3A_359, %gather3A_360] : memref<8x64x128xf32, #tpu.memory_space<vmem>> -> memref<1x64x128xf32, #tpu.memory_space<vmem>>
      %gather3A_362 = tpu.memref_squeeze %gather3A_361 : memref<1x64x128xf32, #tpu.memory_space<vmem>> -> memref<64x128xf32, #tpu.memory_space<vmem>>
      %gather3A_363 = tpu.vector_load_idx %gather3A_362[%add3A_5, %broadcast_in_dim3A_356] : memref<64x128xf32, #tpu.memory_space<vmem>>[vector<16xi32>, vector<16xi32>], vector<16xf32>,
      tpu.vector_store_idx %arg7[%add3A_5, %broadcast_in_dim3A_357], %gather3A_363 : memref<64x512xf32, #tpu.memory_space<vmem>>[vector<16xi32>, vector<16xi32>], vector<16xf32>,
      %gather3A_364 = arith.constant 2 : i32
      %gather3A_365 = arith.constant 0 : i32
      %gather3A_366 = arith.constant 0 : i32
      %gather3A_367 = tpu.memref_slice %arg6[%gather3A_364, %gather3A_365, %gather3A_366] : memref<8x64x128xf32, #tpu.memory_space<vmem>> -> memref<1x64x128xf32, #tpu.memory_space<vmem>>
      %gather3A_368 = tpu.memref_squeeze %gather3A_367 : memref<1x64x128xf32, #tpu.memory_space<vmem>> -> memref<64x128xf32, #tpu.memory_space<vmem>>
      %gather3A_369 = tpu.vector_load_idx %gather3A_368[%add3A_9, %broadcast_in_dim3A_356] : memref<64x128xf32, #tpu.memory_space<vmem>>[vector<16xi32>, vector<16xi32>], vector<16xf32>,
      tpu.vector_store_idx %arg7[%add3A_9, %broadcast_in_dim3A_357], %gather3A_369 : memref<64x512xf32, #tpu.memory_space<vmem>>[vector<16xi32>, vector<16xi32>], vector<16xf32>,
      %gather3A_370 = arith.constant 2 : i32
      %gather3A_371 = arith.constant 0 : i32
      %gather3A_372 = arith.constant 0 : i32
      %gather3A_373 = tpu.memref_slice %arg6[%gather3A_370, %gather3A_371, %gather3A_372] : memref<8x64x128xf32, #tpu.memory_space<vmem>> -> memref<1x64x128xf32, #tpu.memory_space<vmem>>
      %gather3A_374 = tpu.memref_squeeze %gather3A_373 : memref<1x64x128xf32, #tpu.memory_space<vmem>> -> memref<64x128xf32, #tpu.memory_space<vmem>>
      %gather3A_375 = tpu.vector_load_idx %gather3A_374[%add3A_13, %broadcast_in_dim3A_356] : memref<64x128xf32, #tpu.memory_space<vmem>>[vector<16xi32>, vector<16xi32>], vector<16xf32>,
      tpu.vector_store_idx %arg7[%add3A_13, %broadcast_in_dim3A_357], %gather3A_375 : memref<64x512xf32, #tpu.memory_space<vmem>>[vector<16xi32>, vector<16xi32>], vector<16xf32>,
      %gather3A_376 = arith.constant 2 : i32
      %gather3A_377 = arith.constant 0 : i32
      %gather3A_378 = arith.constant 0 : i32
      %gather3A_379 = tpu.memref_slice %arg6[%gather3A_376, %gather3A_377, %gather3A_378] : memref<8x64x128xf32, #tpu.memory_space<vmem>> -> memref<1x64x128xf32, #tpu.memory_space<vmem>>
      %gather3A_380 = tpu.memref_squeeze %gather3A_379 : memref<1x64x128xf32, #tpu.memory_space<vmem>> -> memref<64x128xf32, #tpu.memory_space<vmem>>
      %gather3A_381 = tpu.vector_load_idx %gather3A_380[%add3A_17, %broadcast_in_dim3A_356] : memref<64x128xf32, #tpu.memory_space<vmem>>[vector<16xi32>, vector<16xi32>], vector<16xf32>,
      tpu.vector_store_idx %arg7[%add3A_17, %broadcast_in_dim3A_357], %gather3A_381 : memref<64x512xf32, #tpu.memory_space<vmem>>[vector<16xi32>, vector<16xi32>], vector<16xf32>,
      %shift_right_arithmetic3A_382 = arith.constant 7 : i32
      %shift_right_arithmetic3A_383 = arith.shrsi %scan3A_206, %shift_right_arithmetic3A_382 : i32
      %shift_left3A_384 = arith.constant 7 : i32
      %shift_left3A_385 = arith.shli %shift_right_arithmetic3A_383, %shift_left3A_384 : i32
      %multiple_of3A_386 = tpu.assume_multiple %shift_left3A_385, 128 : i32
      %dma_start3A_387 = arith.constant 2 : i32
      %dma_start3A_388 = arith.constant 0 : i32
      %dma_start3A_389 = arith.constant 0 : i32
      %dma_start3A_390 = tpu.memref_slice %arg6[%dma_start3A_387, %dma_start3A_388, %dma_start3A_389] : memref<8x64x128xf32, #tpu.memory_space<vmem>> -> memref<1x64x128xf32, #tpu.memory_space<vmem>>
      %dma_start3A_391 = tpu.memref_squeeze %dma_start3A_390 : memref<1x64x128xf32, #tpu.memory_space<vmem>> -> memref<64x128xf32, #tpu.memory_space<vmem>>
      %dma_start3A_392 = arith.constant 0 : i32
      %dma_start3A_393 = tpu.memref_slice %arg3[%dma_start3A_392, %multiple_of3A_386] : memref<64x1000000xf32, #tpu.memory_space<hbm>> -> memref<64x128xf32, #tpu.memory_space<hbm>>
      %dma_start3A_394 = arith.constant 0 : i32
      %dma_start3A_395 = arith.constant 0 : i32
      %dma_start3A_396 = tpu.memref_slice %arg6[%dma_start3A_387, %dma_start3A_394, %dma_start3A_395] : memref<8x64x128xf32, #tpu.memory_space<vmem>> -> memref<1x64x128xf32, #tpu.memory_space<vmem>>
      %dma_start3A_397 = tpu.memref_squeeze %dma_start3A_396 : memref<1x64x128xf32, #tpu.memory_space<vmem>> -> memref<64x128xf32, #tpu.memory_space<vmem>>
      %dma_start3A_398 = arith.constant 0 : i32
      %dma_start3A_399 = tpu.memref_slice %arg3[%dma_start3A_398, %multiple_of3A_386] : memref<64x1000000xf32, #tpu.memory_space<hbm>> -> memref<64x128xf32, #tpu.memory_space<hbm>>
      tpu.enqueue_dma source(%dma_start3A_399 : memref<64x128xf32, #tpu.memory_space<hbm>>) target(%dma_start3A_397 : memref<64x128xf32, #tpu.memory_space<vmem>>) target_semaphore(%arg10 : memref<!tpu.dma_semaphore, #tpu.memory_space<semaphore_mem>>)
      %dma_wait3A_400 = arith.constant 3 : i32
      %dma_wait3A_401 = arith.constant 0 : i32
      %dma_wait3A_402 = arith.constant 0 : i32
      %dma_wait3A_403 = tpu.memref_slice %arg6[%dma_wait3A_400, %dma_wait3A_401, %dma_wait3A_402] : memref<8x64x128xf32, #tpu.memory_space<vmem>> -> memref<1x64x128xf32, #tpu.memory_space<vmem>>
      %dma_wait3A_404 = tpu.memref_squeeze %dma_wait3A_403 : memref<1x64x128xf32, #tpu.memory_space<vmem>> -> memref<64x128xf32, #tpu.memory_space<vmem>>
      %dma_wait3A_405 = arith.constant 0 : i32
      %dma_wait3A_406 = arith.constant 0 : i32
      %dma_wait3A_407 = tpu.memref_slice %arg3[%dma_wait3A_405, %dma_wait3A_406] : memref<64x1000000xf32, #tpu.memory_space<hbm>> -> memref<64x128xf32, #tpu.memory_space<hbm>>
      %dma_wait3A_408 = arith.constant 0 : i32
      %dma_wait3A_409 = arith.constant 0 : i32
      %dma_wait3A_410 = tpu.memref_slice %arg6[%dma_wait3A_400, %dma_wait3A_408, %dma_wait3A_409] : memref<8x64x128xf32, #tpu.memory_space<vmem>> -> memref<1x64x128xf32, #tpu.memory_space<vmem>>
      %dma_wait3A_411 = tpu.memref_squeeze %dma_wait3A_410 : memref<1x64x128xf32, #tpu.memory_space<vmem>> -> memref<64x128xf32, #tpu.memory_space<vmem>>
      %dma_wait3A_412 = arith.constant 0 : i32
      %dma_wait3A_413 = arith.constant 0 : i32
      %dma_wait3A_414 = tpu.memref_slice %arg3[%dma_wait3A_412, %dma_wait3A_413] : memref<64x1000000xf32, #tpu.memory_space<hbm>> -> memref<64x128xf32, #tpu.memory_space<hbm>>
      tpu.wait_dma2 semaphore(%arg11 : memref<!tpu.dma_semaphore, #tpu.memory_space<semaphore_mem>>) src(%dma_wait3A_414 : memref<64x128xf32, #tpu.memory_space<hbm>>) dst(%dma_wait3A_411 : memref<64x128xf32, #tpu.memory_space<vmem>>)
      %add3A_415 = arith.constant 3 : i32
      %add3A_416 = arith.addi %multiple_of3A_214, %add3A_415 : i32
      %and3A_417 = arith.constant 127 : i32
      %and3A_418 = arith.andi %scan3A_199, %and3A_417 : i32
      %broadcast_in_dim3A_419 = vector.broadcast %and3A_418 : i32 to vector<16xi32>
      %broadcast_in_dim3A_420 = vector.broadcast %add3A_416 : i32 to vector<16xi32>
      %gather3A_421 = arith.constant 3 : i32
      %gather3A_422 = arith.constant 0 : i32
      %gather3A_423 = arith.constant 0 : i32
      %gather3A_424 = tpu.memref_slice %arg6[%gather3A_421, %gather3A_422, %gather3A_423] : memref<8x64x128xf32, #tpu.memory_space<vmem>> -> memref<1x64x128xf32, #tpu.memory_space<vmem>>
      %gather3A_425 = tpu.memref_squeeze %gather3A_424 : memref<1x64x128xf32, #tpu.memory_space<vmem>> -> memref<64x128xf32, #tpu.memory_space<vmem>>
      %gather3A_426 = tpu.vector_load_idx %gather3A_425[%add3A_5, %broadcast_in_dim3A_419] : memref<64x128xf32, #tpu.memory_space<vmem>>[vector<16xi32>, vector<16xi32>], vector<16xf32>,
      tpu.vector_store_idx %arg7[%add3A_5, %broadcast_in_dim3A_420], %gather3A_426 : memref<64x512xf32, #tpu.memory_space<vmem>>[vector<16xi32>, vector<16xi32>], vector<16xf32>,
      %gather3A_427 = arith.constant 3 : i32
      %gather3A_428 = arith.constant 0 : i32
      %gather3A_429 = arith.constant 0 : i32
      %gather3A_430 = tpu.memref_slice %arg6[%gather3A_427, %gather3A_428, %gather3A_429] : memref<8x64x128xf32, #tpu.memory_space<vmem>> -> memref<1x64x128xf32, #tpu.memory_space<vmem>>
      %gather3A_431 = tpu.memref_squeeze %gather3A_430 : memref<1x64x128xf32, #tpu.memory_space<vmem>> -> memref<64x128xf32, #tpu.memory_space<vmem>>
      %gather3A_432 = tpu.vector_load_idx %gather3A_431[%add3A_9, %broadcast_in_dim3A_419] : memref<64x128xf32, #tpu.memory_space<vmem>>[vector<16xi32>, vector<16xi32>], vector<16xf32>,
      tpu.vector_store_idx %arg7[%add3A_9, %broadcast_in_dim3A_420], %gather3A_432 : memref<64x512xf32, #tpu.memory_space<vmem>>[vector<16xi32>, vector<16xi32>], vector<16xf32>,
      %gather3A_433 = arith.constant 3 : i32
      %gather3A_434 = arith.constant 0 : i32
      %gather3A_435 = arith.constant 0 : i32
      %gather3A_436 = tpu.memref_slice %arg6[%gather3A_433, %gather3A_434, %gather3A_435] : memref<8x64x128xf32, #tpu.memory_space<vmem>> -> memref<1x64x128xf32, #tpu.memory_space<vmem>>
      %gather3A_437 = tpu.memref_squeeze %gather3A_436 : memref<1x64x128xf32, #tpu.memory_space<vmem>> -> memref<64x128xf32, #tpu.memory_space<vmem>>
      %gather3A_438 = tpu.vector_load_idx %gather3A_437[%add3A_13, %broadcast_in_dim3A_419] : memref<64x128xf32, #tpu.memory_space<vmem>>[vector<16xi32>, vector<16xi32>], vector<16xf32>,
      tpu.vector_store_idx %arg7[%add3A_13, %broadcast_in_dim3A_420], %gather3A_438 : memref<64x512xf32, #tpu.memory_space<vmem>>[vector<16xi32>, vector<16xi32>], vector<16xf32>,
      %gather3A_439 = arith.constant 3 : i32
      %gather3A_440 = arith.constant 0 : i32
      %gather3A_441 = arith.constant 0 : i32
      %gather3A_442 = tpu.memref_slice %arg6[%gather3A_439, %gather3A_440, %gather3A_441] : memref<8x64x128xf32, #tpu.memory_space<vmem>> -> memref<1x64x128xf32, #tpu.memory_space<vmem>>
      %gather3A_443 = tpu.memref_squeeze %gather3A_442 : memref<1x64x128xf32, #tpu.memory_space<vmem>> -> memref<64x128xf32, #tpu.memory_space<vmem>>
      %gather3A_444 = tpu.vector_load_idx %gather3A_443[%add3A_17, %broadcast_in_dim3A_419] : memref<64x128xf32, #tpu.memory_space<vmem>>[vector<16xi32>, vector<16xi32>], vector<16xf32>,
      tpu.vector_store_idx %arg7[%add3A_17, %broadcast_in_dim3A_420], %gather3A_444 : memref<64x512xf32, #tpu.memory_space<vmem>>[vector<16xi32>, vector<16xi32>], vector<16xf32>,
      %shift_right_arithmetic3A_445 = arith.constant 7 : i32
      %shift_right_arithmetic3A_446 = arith.shrsi %scan3A_207, %shift_right_arithmetic3A_445 : i32
      %shift_left3A_447 = arith.constant 7 : i32
      %shift_left3A_448 = arith.shli %shift_right_arithmetic3A_446, %shift_left3A_447 : i32
      %multiple_of3A_449 = tpu.assume_multiple %shift_left3A_448, 128 : i32
      %dma_start3A_450 = arith.constant 3 : i32
      %dma_start3A_451 = arith.constant 0 : i32
      %dma_start3A_452 = arith.constant 0 : i32
      %dma_start3A_453 = tpu.memref_slice %arg6[%dma_start3A_450, %dma_start3A_451, %dma_start3A_452] : memref<8x64x128xf32, #tpu.memory_space<vmem>> -> memref<1x64x128xf32, #tpu.memory_space<vmem>>
      %dma_start3A_454 = tpu.memref_squeeze %dma_start3A_453 : memref<1x64x128xf32, #tpu.memory_space<vmem>> -> memref<64x128xf32, #tpu.memory_space<vmem>>
      %dma_start3A_455 = arith.constant 0 : i32
      %dma_start3A_456 = tpu.memref_slice %arg3[%dma_start3A_455, %multiple_of3A_449] : memref<64x1000000xf32, #tpu.memory_space<hbm>> -> memref<64x128xf32, #tpu.memory_space<hbm>>
      %dma_start3A_457 = arith.constant 0 : i32
      %dma_start3A_458 = arith.constant 0 : i32
      %dma_start3A_459 = tpu.memref_slice %arg6[%dma_start3A_450, %dma_start3A_457, %dma_start3A_458] : memref<8x64x128xf32, #tpu.memory_space<vmem>> -> memref<1x64x128xf32, #tpu.memory_space<vmem>>
      %dma_start3A_460 = tpu.memref_squeeze %dma_start3A_459 : memref<1x64x128xf32, #tpu.memory_space<vmem>> -> memref<64x128xf32, #tpu.memory_space<vmem>>
      %dma_start3A_461 = arith.constant 0 : i32
      %dma_start3A_462 = tpu.memref_slice %arg3[%dma_start3A_461, %multiple_of3A_449] : memref<64x1000000xf32, #tpu.memory_space<hbm>> -> memref<64x128xf32, #tpu.memory_space<hbm>>
      tpu.enqueue_dma source(%dma_start3A_462 : memref<64x128xf32, #tpu.memory_space<hbm>>) target(%dma_start3A_460 : memref<64x128xf32, #tpu.memory_space<vmem>>) target_semaphore(%arg11 : memref<!tpu.dma_semaphore, #tpu.memory_space<semaphore_mem>>)
      %dma_wait3A_463 = arith.constant 4 : i32
      %dma_wait3A_464 = arith.constant 0 : i32
      %dma_wait3A_465 = arith.constant 0 : i32
      %dma_wait3A_466 = tpu.memref_slice %arg6[%dma_wait3A_463, %dma_wait3A_464, %dma_wait3A_465] : memref<8x64x128xf32, #tpu.memory_space<vmem>> -> memref<1x64x128xf32, #tpu.memory_space<vmem>>
      %dma_wait3A_467 = tpu.memref_squeeze %dma_wait3A_466 : memref<1x64x128xf32, #tpu.memory_space<vmem>> -> memref<64x128xf32, #tpu.memory_space<vmem>>
      %dma_wait3A_468 = arith.constant 0 : i32
      %dma_wait3A_469 = arith.constant 0 : i32
      %dma_wait3A_470 = tpu.memref_slice %arg3[%dma_wait3A_468, %dma_wait3A_469] : memref<64x1000000xf32, #tpu.memory_space<hbm>> -> memref<64x128xf32, #tpu.memory_space<hbm>>
      %dma_wait3A_471 = arith.constant 0 : i32
      %dma_wait3A_472 = arith.constant 0 : i32
      %dma_wait3A_473 = tpu.memref_slice %arg6[%dma_wait3A_463, %dma_wait3A_471, %dma_wait3A_472] : memref<8x64x128xf32, #tpu.memory_space<vmem>> -> memref<1x64x128xf32, #tpu.memory_space<vmem>>
      %dma_wait3A_474 = tpu.memref_squeeze %dma_wait3A_473 : memref<1x64x128xf32, #tpu.memory_space<vmem>> -> memref<64x128xf32, #tpu.memory_space<vmem>>
      %dma_wait3A_475 = arith.constant 0 : i32
      %dma_wait3A_476 = arith.constant 0 : i32
      %dma_wait3A_477 = tpu.memref_slice %arg3[%dma_wait3A_475, %dma_wait3A_476] : memref<64x1000000xf32, #tpu.memory_space<hbm>> -> memref<64x128xf32, #tpu.memory_space<hbm>>
      tpu.wait_dma2 semaphore(%arg12 : memref<!tpu.dma_semaphore, #tpu.memory_space<semaphore_mem>>) src(%dma_wait3A_477 : memref<64x128xf32, #tpu.memory_space<hbm>>) dst(%dma_wait3A_474 : memref<64x128xf32, #tpu.memory_space<vmem>>)
      %add3A_478 = arith.constant 4 : i32
      %add3A_479 = arith.addi %multiple_of3A_214, %add3A_478 : i32
      %and3A_480 = arith.constant 127 : i32
      %and3A_481 = arith.andi %scan3A_200, %and3A_480 : i32
      %broadcast_in_dim3A_482 = vector.broadcast %and3A_481 : i32 to vector<16xi32>
      %broadcast_in_dim3A_483 = vector.broadcast %add3A_479 : i32 to vector<16xi32>
      %gather3A_484 = arith.constant 4 : i32
      %gather3A_485 = arith.constant 0 : i32
      %gather3A_486 = arith.constant 0 : i32
      %gather3A_487 = tpu.memref_slice %arg6[%gather3A_484, %gather3A_485, %gather3A_486] : memref<8x64x128xf32, #tpu.memory_space<vmem>> -> memref<1x64x128xf32, #tpu.memory_space<vmem>>
      %gather3A_488 = tpu.memref_squeeze %gather3A_487 : memref<1x64x128xf32, #tpu.memory_space<vmem>> -> memref<64x128xf32, #tpu.memory_space<vmem>>
      %gather3A_489 = tpu.vector_load_idx %gather3A_488[%add3A_5, %broadcast_in_dim3A_482] : memref<64x128xf32, #tpu.memory_space<vmem>>[vector<16xi32>, vector<16xi32>], vector<16xf32>,
      tpu.vector_store_idx %arg7[%add3A_5, %broadcast_in_dim3A_483], %gather3A_489 : memref<64x512xf32, #tpu.memory_space<vmem>>[vector<16xi32>, vector<16xi32>], vector<16xf32>,
      %gather3A_490 = arith.constant 4 : i32
      %gather3A_491 = arith.constant 0 : i32
      %gather3A_492 = arith.constant 0 : i32
      %gather3A_493 = tpu.memref_slice %arg6[%gather3A_490, %gather3A_491, %gather3A_492] : memref<8x64x128xf32, #tpu.memory_space<vmem>> -> memref<1x64x128xf32, #tpu.memory_space<vmem>>
      %gather3A_494 = tpu.memref_squeeze %gather3A_493 : memref<1x64x128xf32, #tpu.memory_space<vmem>> -> memref<64x128xf32, #tpu.memory_space<vmem>>
      %gather3A_495 = tpu.vector_load_idx %gather3A_494[%add3A_9, %broadcast_in_dim3A_482] : memref<64x128xf32, #tpu.memory_space<vmem>>[vector<16xi32>, vector<16xi32>], vector<16xf32>,
      tpu.vector_store_idx %arg7[%add3A_9, %broadcast_in_dim3A_483], %gather3A_495 : memref<64x512xf32, #tpu.memory_space<vmem>>[vector<16xi32>, vector<16xi32>], vector<16xf32>,
      %gather3A_496 = arith.constant 4 : i32
      %gather3A_497 = arith.constant 0 : i32
      %gather3A_498 = arith.constant 0 : i32
      %gather3A_499 = tpu.memref_slice %arg6[%gather3A_496, %gather3A_497, %gather3A_498] : memref<8x64x128xf32, #tpu.memory_space<vmem>> -> memref<1x64x128xf32, #tpu.memory_space<vmem>>
      %gather3A_500 = tpu.memref_squeeze %gather3A_499 : memref<1x64x128xf32, #tpu.memory_space<vmem>> -> memref<64x128xf32, #tpu.memory_space<vmem>>
      %gather3A_501 = tpu.vector_load_idx %gather3A_500[%add3A_13, %broadcast_in_dim3A_482] : memref<64x128xf32, #tpu.memory_space<vmem>>[vector<16xi32>, vector<16xi32>], vector<16xf32>,
      tpu.vector_store_idx %arg7[%add3A_13, %broadcast_in_dim3A_483], %gather3A_501 : memref<64x512xf32, #tpu.memory_space<vmem>>[vector<16xi32>, vector<16xi32>], vector<16xf32>,
      %gather3A_502 = arith.constant 4 : i32
      %gather3A_503 = arith.constant 0 : i32
      %gather3A_504 = arith.constant 0 : i32
      %gather3A_505 = tpu.memref_slice %arg6[%gather3A_502, %gather3A_503, %gather3A_504] : memref<8x64x128xf32, #tpu.memory_space<vmem>> -> memref<1x64x128xf32, #tpu.memory_space<vmem>>
      %gather3A_506 = tpu.memref_squeeze %gather3A_505 : memref<1x64x128xf32, #tpu.memory_space<vmem>> -> memref<64x128xf32, #tpu.memory_space<vmem>>
      %gather3A_507 = tpu.vector_load_idx %gather3A_506[%add3A_17, %broadcast_in_dim3A_482] : memref<64x128xf32, #tpu.memory_space<vmem>>[vector<16xi32>, vector<16xi32>], vector<16xf32>,
      tpu.vector_store_idx %arg7[%add3A_17, %broadcast_in_dim3A_483], %gather3A_507 : memref<64x512xf32, #tpu.memory_space<vmem>>[vector<16xi32>, vector<16xi32>], vector<16xf32>,
      %shift_right_arithmetic3A_508 = arith.constant 7 : i32
      %shift_right_arithmetic3A_509 = arith.shrsi %scan3A_208, %shift_right_arithmetic3A_508 : i32
      %shift_left3A_510 = arith.constant 7 : i32
      %shift_left3A_511 = arith.shli %shift_right_arithmetic3A_509, %shift_left3A_510 : i32
      %multiple_of3A_512 = tpu.assume_multiple %shift_left3A_511, 128 : i32
      %dma_start3A_513 = arith.constant 4 : i32
      %dma_start3A_514 = arith.constant 0 : i32
      %dma_start3A_515 = arith.constant 0 : i32
      %dma_start3A_516 = tpu.memref_slice %arg6[%dma_start3A_513, %dma_start3A_514, %dma_start3A_515] : memref<8x64x128xf32, #tpu.memory_space<vmem>> -> memref<1x64x128xf32, #tpu.memory_space<vmem>>
      %dma_start3A_517 = tpu.memref_squeeze %dma_start3A_516 : memref<1x64x128xf32, #tpu.memory_space<vmem>> -> memref<64x128xf32, #tpu.memory_space<vmem>>
      %dma_start3A_518 = arith.constant 0 : i32
      %dma_start3A_519 = tpu.memref_slice %arg3[%dma_start3A_518, %multiple_of3A_512] : memref<64x1000000xf32, #tpu.memory_space<hbm>> -> memref<64x128xf32, #tpu.memory_space<hbm>>
      %dma_start3A_520 = arith.constant 0 : i32
      %dma_start3A_521 = arith.constant 0 : i32
      %dma_start3A_522 = tpu.memref_slice %arg6[%dma_start3A_513, %dma_start3A_520, %dma_start3A_521] : memref<8x64x128xf32, #tpu.memory_space<vmem>> -> memref<1x64x128xf32, #tpu.memory_space<vmem>>
      %dma_start3A_523 = tpu.memref_squeeze %dma_start3A_522 : memref<1x64x128xf32, #tpu.memory_space<vmem>> -> memref<64x128xf32, #tpu.memory_space<vmem>>
      %dma_start3A_524 = arith.constant 0 : i32
      %dma_start3A_525 = tpu.memref_slice %arg3[%dma_start3A_524, %multiple_of3A_512] : memref<64x1000000xf32, #tpu.memory_space<hbm>> -> memref<64x128xf32, #tpu.memory_space<hbm>>
      tpu.enqueue_dma source(%dma_start3A_525 : memref<64x128xf32, #tpu.memory_space<hbm>>) target(%dma_start3A_523 : memref<64x128xf32, #tpu.memory_space<vmem>>) target_semaphore(%arg12 : memref<!tpu.dma_semaphore, #tpu.memory_space<semaphore_mem>>)
      %dma_wait3A_526 = arith.constant 5 : i32
      %dma_wait3A_527 = arith.constant 0 : i32
      %dma_wait3A_528 = arith.constant 0 : i32
      %dma_wait3A_529 = tpu.memref_slice %arg6[%dma_wait3A_526, %dma_wait3A_527, %dma_wait3A_528] : memref<8x64x128xf32, #tpu.memory_space<vmem>> -> memref<1x64x128xf32, #tpu.memory_space<vmem>>
      %dma_wait3A_530 = tpu.memref_squeeze %dma_wait3A_529 : memref<1x64x128xf32, #tpu.memory_space<vmem>> -> memref<64x128xf32, #tpu.memory_space<vmem>>
      %dma_wait3A_531 = arith.constant 0 : i32
      %dma_wait3A_532 = arith.constant 0 : i32
      %dma_wait3A_533 = tpu.memref_slice %arg3[%dma_wait3A_531, %dma_wait3A_532] : memref<64x1000000xf32, #tpu.memory_space<hbm>> -> memref<64x128xf32, #tpu.memory_space<hbm>>
      %dma_wait3A_534 = arith.constant 0 : i32
      %dma_wait3A_535 = arith.constant 0 : i32
      %dma_wait3A_536 = tpu.memref_slice %arg6[%dma_wait3A_526, %dma_wait3A_534, %dma_wait3A_535] : memref<8x64x128xf32, #tpu.memory_space<vmem>> -> memref<1x64x128xf32, #tpu.memory_space<vmem>>
      %dma_wait3A_537 = tpu.memref_squeeze %dma_wait3A_536 : memref<1x64x128xf32, #tpu.memory_space<vmem>> -> memref<64x128xf32, #tpu.memory_space<vmem>>
      %dma_wait3A_538 = arith.constant 0 : i32
      %dma_wait3A_539 = arith.constant 0 : i32
      %dma_wait3A_540 = tpu.memref_slice %arg3[%dma_wait3A_538, %dma_wait3A_539] : memref<64x1000000xf32, #tpu.memory_space<hbm>> -> memref<64x128xf32, #tpu.memory_space<hbm>>
      tpu.wait_dma2 semaphore(%arg13 : memref<!tpu.dma_semaphore, #tpu.memory_space<semaphore_mem>>) src(%dma_wait3A_540 : memref<64x128xf32, #tpu.memory_space<hbm>>) dst(%dma_wait3A_537 : memref<64x128xf32, #tpu.memory_space<vmem>>)
      %add3A_541 = arith.constant 5 : i32
      %add3A_542 = arith.addi %multiple_of3A_214, %add3A_541 : i32
      %and3A_543 = arith.constant 127 : i32
      %and3A_544 = arith.andi %scan3A_201, %and3A_543 : i32
      %broadcast_in_dim3A_545 = vector.broadcast %and3A_544 : i32 to vector<16xi32>
      %broadcast_in_dim3A_546 = vector.broadcast %add3A_542 : i32 to vector<16xi32>
      %gather3A_547 = arith.constant 5 : i32
      %gather3A_548 = arith.constant 0 : i32
      %gather3A_549 = arith.constant 0 : i32
      %gather3A_550 = tpu.memref_slice %arg6[%gather3A_547, %gather3A_548, %gather3A_549] : memref<8x64x128xf32, #tpu.memory_space<vmem>> -> memref<1x64x128xf32, #tpu.memory_space<vmem>>
      %gather3A_551 = tpu.memref_squeeze %gather3A_550 : memref<1x64x128xf32, #tpu.memory_space<vmem>> -> memref<64x128xf32, #tpu.memory_space<vmem>>
      %gather3A_552 = tpu.vector_load_idx %gather3A_551[%add3A_5, %broadcast_in_dim3A_545] : memref<64x128xf32, #tpu.memory_space<vmem>>[vector<16xi32>, vector<16xi32>], vector<16xf32>,
      tpu.vector_store_idx %arg7[%add3A_5, %broadcast_in_dim3A_546], %gather3A_552 : memref<64x512xf32, #tpu.memory_space<vmem>>[vector<16xi32>, vector<16xi32>], vector<16xf32>,
      %gather3A_553 = arith.constant 5 : i32
      %gather3A_554 = arith.constant 0 : i32
      %gather3A_555 = arith.constant 0 : i32
      %gather3A_556 = tpu.memref_slice %arg6[%gather3A_553, %gather3A_554, %gather3A_555] : memref<8x64x128xf32, #tpu.memory_space<vmem>> -> memref<1x64x128xf32, #tpu.memory_space<vmem>>
      %gather3A_557 = tpu.memref_squeeze %gather3A_556 : memref<1x64x128xf32, #tpu.memory_space<vmem>> -> memref<64x128xf32, #tpu.memory_space<vmem>>
      %gather3A_558 = tpu.vector_load_idx %gather3A_557[%add3A_9, %broadcast_in_dim3A_545] : memref<64x128xf32, #tpu.memory_space<vmem>>[vector<16xi32>, vector<16xi32>], vector<16xf32>,
      tpu.vector_store_idx %arg7[%add3A_9, %broadcast_in_dim3A_546], %gather3A_558 : memref<64x512xf32, #tpu.memory_space<vmem>>[vector<16xi32>, vector<16xi32>], vector<16xf32>,
      %gather3A_559 = arith.constant 5 : i32
      %gather3A_560 = arith.constant 0 : i32
      %gather3A_561 = arith.constant 0 : i32
      %gather3A_562 = tpu.memref_slice %arg6[%gather3A_559, %gather3A_560, %gather3A_561] : memref<8x64x128xf32, #tpu.memory_space<vmem>> -> memref<1x64x128xf32, #tpu.memory_space<vmem>>
      %gather3A_563 = tpu.memref_squeeze %gather3A_562 : memref<1x64x128xf32, #tpu.memory_space<vmem>> -> memref<64x128xf32, #tpu.memory_space<vmem>>
      %gather3A_564 = tpu.vector_load_idx %gather3A_563[%add3A_13, %broadcast_in_dim3A_545] : memref<64x128xf32, #tpu.memory_space<vmem>>[vector<16xi32>, vector<16xi32>], vector<16xf32>,
      tpu.vector_store_idx %arg7[%add3A_13, %broadcast_in_dim3A_546], %gather3A_564 : memref<64x512xf32, #tpu.memory_space<vmem>>[vector<16xi32>, vector<16xi32>], vector<16xf32>,
      %gather3A_565 = arith.constant 5 : i32
      %gather3A_566 = arith.constant 0 : i32
      %gather3A_567 = arith.constant 0 : i32
      %gather3A_568 = tpu.memref_slice %arg6[%gather3A_565, %gather3A_566, %gather3A_567] : memref<8x64x128xf32, #tpu.memory_space<vmem>> -> memref<1x64x128xf32, #tpu.memory_space<vmem>>
      %gather3A_569 = tpu.memref_squeeze %gather3A_568 : memref<1x64x128xf32, #tpu.memory_space<vmem>> -> memref<64x128xf32, #tpu.memory_space<vmem>>
      %gather3A_570 = tpu.vector_load_idx %gather3A_569[%add3A_17, %broadcast_in_dim3A_545] : memref<64x128xf32, #tpu.memory_space<vmem>>[vector<16xi32>, vector<16xi32>], vector<16xf32>,
      tpu.vector_store_idx %arg7[%add3A_17, %broadcast_in_dim3A_546], %gather3A_570 : memref<64x512xf32, #tpu.memory_space<vmem>>[vector<16xi32>, vector<16xi32>], vector<16xf32>,
      %shift_right_arithmetic3A_571 = arith.constant 7 : i32
      %shift_right_arithmetic3A_572 = arith.shrsi %scan3A_209, %shift_right_arithmetic3A_571 : i32
      %shift_left3A_573 = arith.constant 7 : i32
      %shift_left3A_574 = arith.shli %shift_right_arithmetic3A_572, %shift_left3A_573 : i32
      %multiple_of3A_575 = tpu.assume_multiple %shift_left3A_574, 128 : i32
      %dma_start3A_576 = arith.constant 5 : i32
      %dma_start3A_577 = arith.constant 0 : i32
      %dma_start3A_578 = arith.constant 0 : i32
      %dma_start3A_579 = tpu.memref_slice %arg6[%dma_start3A_576, %dma_start3A_577, %dma_start3A_578] : memref<8x64x128xf32, #tpu.memory_space<vmem>> -> memref<1x64x128xf32, #tpu.memory_space<vmem>>
      %dma_start3A_580 = tpu.memref_squeeze %dma_start3A_579 : memref<1x64x128xf32, #tpu.memory_space<vmem>> -> memref<64x128xf32, #tpu.memory_space<vmem>>
      %dma_start3A_581 = arith.constant 0 : i32
      %dma_start3A_582 = tpu.memref_slice %arg3[%dma_start3A_581, %multiple_of3A_575] : memref<64x1000000xf32, #tpu.memory_space<hbm>> -> memref<64x128xf32, #tpu.memory_space<hbm>>
      %dma_start3A_583 = arith.constant 0 : i32
      %dma_start3A_584 = arith.constant 0 : i32
      %dma_start3A_585 = tpu.memref_slice %arg6[%dma_start3A_576, %dma_start3A_583, %dma_start3A_584] : memref<8x64x128xf32, #tpu.memory_space<vmem>> -> memref<1x64x128xf32, #tpu.memory_space<vmem>>
      %dma_start3A_586 = tpu.memref_squeeze %dma_start3A_585 : memref<1x64x128xf32, #tpu.memory_space<vmem>> -> memref<64x128xf32, #tpu.memory_space<vmem>>
      %dma_start3A_587 = arith.constant 0 : i32
      %dma_start3A_588 = tpu.memref_slice %arg3[%dma_start3A_587, %multiple_of3A_575] : memref<64x1000000xf32, #tpu.memory_space<hbm>> -> memref<64x128xf32, #tpu.memory_space<hbm>>
      tpu.enqueue_dma source(%dma_start3A_588 : memref<64x128xf32, #tpu.memory_space<hbm>>) target(%dma_start3A_586 : memref<64x128xf32, #tpu.memory_space<vmem>>) target_semaphore(%arg13 : memref<!tpu.dma_semaphore, #tpu.memory_space<semaphore_mem>>)
      %dma_wait3A_589 = arith.constant 6 : i32
      %dma_wait3A_590 = arith.constant 0 : i32
      %dma_wait3A_591 = arith.constant 0 : i32
      %dma_wait3A_592 = tpu.memref_slice %arg6[%dma_wait3A_589, %dma_wait3A_590, %dma_wait3A_591] : memref<8x64x128xf32, #tpu.memory_space<vmem>> -> memref<1x64x128xf32, #tpu.memory_space<vmem>>
      %dma_wait3A_593 = tpu.memref_squeeze %dma_wait3A_592 : memref<1x64x128xf32, #tpu.memory_space<vmem>> -> memref<64x128xf32, #tpu.memory_space<vmem>>
      %dma_wait3A_594 = arith.constant 0 : i32
      %dma_wait3A_595 = arith.constant 0 : i32
      %dma_wait3A_596 = tpu.memref_slice %arg3[%dma_wait3A_594, %dma_wait3A_595] : memref<64x1000000xf32, #tpu.memory_space<hbm>> -> memref<64x128xf32, #tpu.memory_space<hbm>>
      %dma_wait3A_597 = arith.constant 0 : i32
      %dma_wait3A_598 = arith.constant 0 : i32
      %dma_wait3A_599 = tpu.memref_slice %arg6[%dma_wait3A_589, %dma_wait3A_597, %dma_wait3A_598] : memref<8x64x128xf32, #tpu.memory_space<vmem>> -> memref<1x64x128xf32, #tpu.memory_space<vmem>>
      %dma_wait3A_600 = tpu.memref_squeeze %dma_wait3A_599 : memref<1x64x128xf32, #tpu.memory_space<vmem>> -> memref<64x128xf32, #tpu.memory_space<vmem>>
      %dma_wait3A_601 = arith.constant 0 : i32
      %dma_wait3A_602 = arith.constant 0 : i32
      %dma_wait3A_603 = tpu.memref_slice %arg3[%dma_wait3A_601, %dma_wait3A_602] : memref<64x1000000xf32, #tpu.memory_space<hbm>> -> memref<64x128xf32, #tpu.memory_space<hbm>>
      tpu.wait_dma2 semaphore(%arg14 : memref<!tpu.dma_semaphore, #tpu.memory_space<semaphore_mem>>) src(%dma_wait3A_603 : memref<64x128xf32, #tpu.memory_space<hbm>>) dst(%dma_wait3A_600 : memref<64x128xf32, #tpu.memory_space<vmem>>)
      %add3A_604 = arith.constant 6 : i32
      %add3A_605 = arith.addi %multiple_of3A_214, %add3A_604 : i32
      %and3A_606 = arith.constant 127 : i32
      %and3A_607 = arith.andi %scan3A_202, %and3A_606 : i32
      %broadcast_in_dim3A_608 = vector.broadcast %and3A_607 : i32 to vector<16xi32>
      %broadcast_in_dim3A_609 = vector.broadcast %add3A_605 : i32 to vector<16xi32>
      %gather3A_610 = arith.constant 6 : i32
      %gather3A_611 = arith.constant 0 : i32
      %gather3A_612 = arith.constant 0 : i32
      %gather3A_613 = tpu.memref_slice %arg6[%gather3A_610, %gather3A_611, %gather3A_612] : memref<8x64x128xf32, #tpu.memory_space<vmem>> -> memref<1x64x128xf32, #tpu.memory_space<vmem>>
      %gather3A_614 = tpu.memref_squeeze %gather3A_613 : memref<1x64x128xf32, #tpu.memory_space<vmem>> -> memref<64x128xf32, #tpu.memory_space<vmem>>
      %gather3A_615 = tpu.vector_load_idx %gather3A_614[%add3A_5, %broadcast_in_dim3A_608] : memref<64x128xf32, #tpu.memory_space<vmem>>[vector<16xi32>, vector<16xi32>], vector<16xf32>,
      tpu.vector_store_idx %arg7[%add3A_5, %broadcast_in_dim3A_609], %gather3A_615 : memref<64x512xf32, #tpu.memory_space<vmem>>[vector<16xi32>, vector<16xi32>], vector<16xf32>,
      %gather3A_616 = arith.constant 6 : i32
      %gather3A_617 = arith.constant 0 : i32
      %gather3A_618 = arith.constant 0 : i32
      %gather3A_619 = tpu.memref_slice %arg6[%gather3A_616, %gather3A_617, %gather3A_618] : memref<8x64x128xf32, #tpu.memory_space<vmem>> -> memref<1x64x128xf32, #tpu.memory_space<vmem>>
      %gather3A_620 = tpu.memref_squeeze %gather3A_619 : memref<1x64x128xf32, #tpu.memory_space<vmem>> -> memref<64x128xf32, #tpu.memory_space<vmem>>
      %gather3A_621 = tpu.vector_load_idx %gather3A_620[%add3A_9, %broadcast_in_dim3A_608] : memref<64x128xf32, #tpu.memory_space<vmem>>[vector<16xi32>, vector<16xi32>], vector<16xf32>,
      tpu.vector_store_idx %arg7[%add3A_9, %broadcast_in_dim3A_609], %gather3A_621 : memref<64x512xf32, #tpu.memory_space<vmem>>[vector<16xi32>, vector<16xi32>], vector<16xf32>,
      %gather3A_622 = arith.constant 6 : i32
      %gather3A_623 = arith.constant 0 : i32
      %gather3A_624 = arith.constant 0 : i32
      %gather3A_625 = tpu.memref_slice %arg6[%gather3A_622, %gather3A_623, %gather3A_624] : memref<8x64x128xf32, #tpu.memory_space<vmem>> -> memref<1x64x128xf32, #tpu.memory_space<vmem>>
      %gather3A_626 = tpu.memref_squeeze %gather3A_625 : memref<1x64x128xf32, #tpu.memory_space<vmem>> -> memref<64x128xf32, #tpu.memory_space<vmem>>
      %gather3A_627 = tpu.vector_load_idx %gather3A_626[%add3A_13, %broadcast_in_dim3A_608] : memref<64x128xf32, #tpu.memory_space<vmem>>[vector<16xi32>, vector<16xi32>], vector<16xf32>,
      tpu.vector_store_idx %arg7[%add3A_13, %broadcast_in_dim3A_609], %gather3A_627 : memref<64x512xf32, #tpu.memory_space<vmem>>[vector<16xi32>, vector<16xi32>], vector<16xf32>,
      %gather3A_628 = arith.constant 6 : i32
      %gather3A_629 = arith.constant 0 : i32
      %gather3A_630 = arith.constant 0 : i32
      %gather3A_631 = tpu.memref_slice %arg6[%gather3A_628, %gather3A_629, %gather3A_630] : memref<8x64x128xf32, #tpu.memory_space<vmem>> -> memref<1x64x128xf32, #tpu.memory_space<vmem>>
      %gather3A_632 = tpu.memref_squeeze %gather3A_631 : memref<1x64x128xf32, #tpu.memory_space<vmem>> -> memref<64x128xf32, #tpu.memory_space<vmem>>
      %gather3A_633 = tpu.vector_load_idx %gather3A_632[%add3A_17, %broadcast_in_dim3A_608] : memref<64x128xf32, #tpu.memory_space<vmem>>[vector<16xi32>, vector<16xi32>], vector<16xf32>,
      tpu.vector_store_idx %arg7[%add3A_17, %broadcast_in_dim3A_609], %gather3A_633 : memref<64x512xf32, #tpu.memory_space<vmem>>[vector<16xi32>, vector<16xi32>], vector<16xf32>,
      %shift_right_arithmetic3A_634 = arith.constant 7 : i32
      %shift_right_arithmetic3A_635 = arith.shrsi %scan3A_210, %shift_right_arithmetic3A_634 : i32
      %shift_left3A_636 = arith.constant 7 : i32
      %shift_left3A_637 = arith.shli %shift_right_arithmetic3A_635, %shift_left3A_636 : i32
      %multiple_of3A_638 = tpu.assume_multiple %shift_left3A_637, 128 : i32
      %dma_start3A_639 = arith.constant 6 : i32
      %dma_start3A_640 = arith.constant 0 : i32
      %dma_start3A_641 = arith.constant 0 : i32
      %dma_start3A_642 = tpu.memref_slice %arg6[%dma_start3A_639, %dma_start3A_640, %dma_start3A_641] : memref<8x64x128xf32, #tpu.memory_space<vmem>> -> memref<1x64x128xf32, #tpu.memory_space<vmem>>
      %dma_start3A_643 = tpu.memref_squeeze %dma_start3A_642 : memref<1x64x128xf32, #tpu.memory_space<vmem>> -> memref<64x128xf32, #tpu.memory_space<vmem>>
      %dma_start3A_644 = arith.constant 0 : i32
      %dma_start3A_645 = tpu.memref_slice %arg3[%dma_start3A_644, %multiple_of3A_638] : memref<64x1000000xf32, #tpu.memory_space<hbm>> -> memref<64x128xf32, #tpu.memory_space<hbm>>
      %dma_start3A_646 = arith.constant 0 : i32
      %dma_start3A_647 = arith.constant 0 : i32
      %dma_start3A_648 = tpu.memref_slice %arg6[%dma_start3A_639, %dma_start3A_646, %dma_start3A_647] : memref<8x64x128xf32, #tpu.memory_space<vmem>> -> memref<1x64x128xf32, #tpu.memory_space<vmem>>
      %dma_start3A_649 = tpu.memref_squeeze %dma_start3A_648 : memref<1x64x128xf32, #tpu.memory_space<vmem>> -> memref<64x128xf32, #tpu.memory_space<vmem>>
      %dma_start3A_650 = arith.constant 0 : i32
      %dma_start3A_651 = tpu.memref_slice %arg3[%dma_start3A_650, %multiple_of3A_638] : memref<64x1000000xf32, #tpu.memory_space<hbm>> -> memref<64x128xf32, #tpu.memory_space<hbm>>
      tpu.enqueue_dma source(%dma_start3A_651 : memref<64x128xf32, #tpu.memory_space<hbm>>) target(%dma_start3A_649 : memref<64x128xf32, #tpu.memory_space<vmem>>) target_semaphore(%arg14 : memref<!tpu.dma_semaphore, #tpu.memory_space<semaphore_mem>>)
      %dma_wait3A_652 = arith.constant 7 : i32
      %dma_wait3A_653 = arith.constant 0 : i32
      %dma_wait3A_654 = arith.constant 0 : i32
      %dma_wait3A_655 = tpu.memref_slice %arg6[%dma_wait3A_652, %dma_wait3A_653, %dma_wait3A_654] : memref<8x64x128xf32, #tpu.memory_space<vmem>> -> memref<1x64x128xf32, #tpu.memory_space<vmem>>
      %dma_wait3A_656 = tpu.memref_squeeze %dma_wait3A_655 : memref<1x64x128xf32, #tpu.memory_space<vmem>> -> memref<64x128xf32, #tpu.memory_space<vmem>>
      %dma_wait3A_657 = arith.constant 0 : i32
      %dma_wait3A_658 = arith.constant 0 : i32
      %dma_wait3A_659 = tpu.memref_slice %arg3[%dma_wait3A_657, %dma_wait3A_658] : memref<64x1000000xf32, #tpu.memory_space<hbm>> -> memref<64x128xf32, #tpu.memory_space<hbm>>
      %dma_wait3A_660 = arith.constant 0 : i32
      %dma_wait3A_661 = arith.constant 0 : i32
      %dma_wait3A_662 = tpu.memref_slice %arg6[%dma_wait3A_652, %dma_wait3A_660, %dma_wait3A_661] : memref<8x64x128xf32, #tpu.memory_space<vmem>> -> memref<1x64x128xf32, #tpu.memory_space<vmem>>
      %dma_wait3A_663 = tpu.memref_squeeze %dma_wait3A_662 : memref<1x64x128xf32, #tpu.memory_space<vmem>> -> memref<64x128xf32, #tpu.memory_space<vmem>>
      %dma_wait3A_664 = arith.constant 0 : i32
      %dma_wait3A_665 = arith.constant 0 : i32
      %dma_wait3A_666 = tpu.memref_slice %arg3[%dma_wait3A_664, %dma_wait3A_665] : memref<64x1000000xf32, #tpu.memory_space<hbm>> -> memref<64x128xf32, #tpu.memory_space<hbm>>
      tpu.wait_dma2 semaphore(%arg15 : memref<!tpu.dma_semaphore, #tpu.memory_space<semaphore_mem>>) src(%dma_wait3A_666 : memref<64x128xf32, #tpu.memory_space<hbm>>) dst(%dma_wait3A_663 : memref<64x128xf32, #tpu.memory_space<vmem>>)
      %add3A_667 = arith.constant 7 : i32
      %add3A_668 = arith.addi %multiple_of3A_214, %add3A_667 : i32
      %and3A_669 = arith.constant 127 : i32
      %and3A_670 = arith.andi %scan3A_203, %and3A_669 : i32
      %broadcast_in_dim3A_671 = vector.broadcast %and3A_670 : i32 to vector<16xi32>
      %broadcast_in_dim3A_672 = vector.broadcast %add3A_668 : i32 to vector<16xi32>
      %gather3A_673 = arith.constant 7 : i32
      %gather3A_674 = arith.constant 0 : i32
      %gather3A_675 = arith.constant 0 : i32
      %gather3A_676 = tpu.memref_slice %arg6[%gather3A_673, %gather3A_674, %gather3A_675] : memref<8x64x128xf32, #tpu.memory_space<vmem>> -> memref<1x64x128xf32, #tpu.memory_space<vmem>>
      %gather3A_677 = tpu.memref_squeeze %gather3A_676 : memref<1x64x128xf32, #tpu.memory_space<vmem>> -> memref<64x128xf32, #tpu.memory_space<vmem>>
      %gather3A_678 = tpu.vector_load_idx %gather3A_677[%add3A_5, %broadcast_in_dim3A_671] : memref<64x128xf32, #tpu.memory_space<vmem>>[vector<16xi32>, vector<16xi32>], vector<16xf32>,
      tpu.vector_store_idx %arg7[%add3A_5, %broadcast_in_dim3A_672], %gather3A_678 : memref<64x512xf32, #tpu.memory_space<vmem>>[vector<16xi32>, vector<16xi32>], vector<16xf32>,
      %gather3A_679 = arith.constant 7 : i32
      %gather3A_680 = arith.constant 0 : i32
      %gather3A_681 = arith.constant 0 : i32
      %gather3A_682 = tpu.memref_slice %arg6[%gather3A_679, %gather3A_680, %gather3A_681] : memref<8x64x128xf32, #tpu.memory_space<vmem>> -> memref<1x64x128xf32, #tpu.memory_space<vmem>>
      %gather3A_683 = tpu.memref_squeeze %gather3A_682 : memref<1x64x128xf32, #tpu.memory_space<vmem>> -> memref<64x128xf32, #tpu.memory_space<vmem>>
      %gather3A_684 = tpu.vector_load_idx %gather3A_683[%add3A_9, %broadcast_in_dim3A_671] : memref<64x128xf32, #tpu.memory_space<vmem>>[vector<16xi32>, vector<16xi32>], vector<16xf32>,
      tpu.vector_store_idx %arg7[%add3A_9, %broadcast_in_dim3A_672], %gather3A_684 : memref<64x512xf32, #tpu.memory_space<vmem>>[vector<16xi32>, vector<16xi32>], vector<16xf32>,
      %gather3A_685 = arith.constant 7 : i32
      %gather3A_686 = arith.constant 0 : i32
      %gather3A_687 = arith.constant 0 : i32
      %gather3A_688 = tpu.memref_slice %arg6[%gather3A_685, %gather3A_686, %gather3A_687] : memref<8x64x128xf32, #tpu.memory_space<vmem>> -> memref<1x64x128xf32, #tpu.memory_space<vmem>>
      %gather3A_689 = tpu.memref_squeeze %gather3A_688 : memref<1x64x128xf32, #tpu.memory_space<vmem>> -> memref<64x128xf32, #tpu.memory_space<vmem>>
      %gather3A_690 = tpu.vector_load_idx %gather3A_689[%add3A_13, %broadcast_in_dim3A_671] : memref<64x128xf32, #tpu.memory_space<vmem>>[vector<16xi32>, vector<16xi32>], vector<16xf32>,
      tpu.vector_store_idx %arg7[%add3A_13, %broadcast_in_dim3A_672], %gather3A_690 : memref<64x512xf32, #tpu.memory_space<vmem>>[vector<16xi32>, vector<16xi32>], vector<16xf32>,
      %gather3A_691 = arith.constant 7 : i32
      %gather3A_692 = arith.constant 0 : i32
      %gather3A_693 = arith.constant 0 : i32
      %gather3A_694 = tpu.memref_slice %arg6[%gather3A_691, %gather3A_692, %gather3A_693] : memref<8x64x128xf32, #tpu.memory_space<vmem>> -> memref<1x64x128xf32, #tpu.memory_space<vmem>>
      %gather3A_695 = tpu.memref_squeeze %gather3A_694 : memref<1x64x128xf32, #tpu.memory_space<vmem>> -> memref<64x128xf32, #tpu.memory_space<vmem>>
      %gather3A_696 = tpu.vector_load_idx %gather3A_695[%add3A_17, %broadcast_in_dim3A_671] : memref<64x128xf32, #tpu.memory_space<vmem>>[vector<16xi32>, vector<16xi32>], vector<16xf32>,
      tpu.vector_store_idx %arg7[%add3A_17, %broadcast_in_dim3A_672], %gather3A_696 : memref<64x512xf32, #tpu.memory_space<vmem>>[vector<16xi32>, vector<16xi32>], vector<16xf32>,
      %shift_right_arithmetic3A_697 = arith.constant 7 : i32
      %shift_right_arithmetic3A_698 = arith.shrsi %scan3A_211, %shift_right_arithmetic3A_697 : i32
      %shift_left3A_699 = arith.constant 7 : i32
      %shift_left3A_700 = arith.shli %shift_right_arithmetic3A_698, %shift_left3A_699 : i32
      %multiple_of3A_701 = tpu.assume_multiple %shift_left3A_700, 128 : i32
      %dma_start3A_702 = arith.constant 7 : i32
      %dma_start3A_703 = arith.constant 0 : i32
      %dma_start3A_704 = arith.constant 0 : i32
      %dma_start3A_705 = tpu.memref_slice %arg6[%dma_start3A_702, %dma_start3A_703, %dma_start3A_704] : memref<8x64x128xf32, #tpu.memory_space<vmem>> -> memref<1x64x128xf32, #tpu.memory_space<vmem>>
      %dma_start3A_706 = tpu.memref_squeeze %dma_start3A_705 : memref<1x64x128xf32, #tpu.memory_space<vmem>> -> memref<64x128xf32, #tpu.memory_space<vmem>>
      %dma_start3A_707 = arith.constant 0 : i32
      %dma_start3A_708 = tpu.memref_slice %arg3[%dma_start3A_707, %multiple_of3A_701] : memref<64x1000000xf32, #tpu.memory_space<hbm>> -> memref<64x128xf32, #tpu.memory_space<hbm>>
      %dma_start3A_709 = arith.constant 0 : i32
      %dma_start3A_710 = arith.constant 0 : i32
      %dma_start3A_711 = tpu.memref_slice %arg6[%dma_start3A_702, %dma_start3A_709, %dma_start3A_710] : memref<8x64x128xf32, #tpu.memory_space<vmem>> -> memref<1x64x128xf32, #tpu.memory_space<vmem>>
      %dma_start3A_712 = tpu.memref_squeeze %dma_start3A_711 : memref<1x64x128xf32, #tpu.memory_space<vmem>> -> memref<64x128xf32, #tpu.memory_space<vmem>>
      %dma_start3A_713 = arith.constant 0 : i32
      %dma_start3A_714 = tpu.memref_slice %arg3[%dma_start3A_713, %multiple_of3A_701] : memref<64x1000000xf32, #tpu.memory_space<hbm>> -> memref<64x128xf32, #tpu.memory_space<hbm>>
      tpu.enqueue_dma source(%dma_start3A_714 : memref<64x128xf32, #tpu.memory_space<hbm>>) target(%dma_start3A_712 : memref<64x128xf32, #tpu.memory_space<vmem>>) target_semaphore(%arg15 : memref<!tpu.dma_semaphore, #tpu.memory_space<semaphore_mem>>)
      %add3A_715 = arith.constant 1 : i32
      %add3A_716 = arith.addi %scan3A_195, %add3A_715 : i32
      %mul3A_717 = arith.constant 16 : i32
      %mul3A_718 = arith.muli %add3A_716, %mul3A_717 : i32
      %min3A = arith.constant 496 : i32
      %min3A_719 = arith.minsi %mul3A_718, %min3A : i32
      %multiple_of3A_720 = tpu.assume_multiple %min3A_719, 16 : i32
      %get3A_721 = arith.index_cast %multiple_of3A_720 : i32 to index
      %get3A_722 = tpu.vector_load %arg5[%get3A_721] {strides = array<i32>} : memref<512xi32, #tpu.memory_space<vmem>>, vector<16xi32>,
      %slice3A_723 = vector.extract_strided_slice %get3A_722 {offsets = [0], sizes = [1], strides = [1]} : vector<16xi32> to vector<1xi32>
      %squeeze3A_724 = vector.extract %slice3A_723[0] : i32 from vector<1xi32>
      %slice3A_725 = vector.extract_strided_slice %get3A_722 {offsets = [1], sizes = [1], strides = [1]} : vector<16xi32> to vector<1xi32>
      %squeeze3A_726 = vector.extract %slice3A_725[0] : i32 from vector<1xi32>
      %slice3A_727 = vector.extract_strided_slice %get3A_722 {offsets = [2], sizes = [1], strides = [1]} : vector<16xi32> to vector<1xi32>
      %squeeze3A_728 = vector.extract %slice3A_727[0] : i32 from vector<1xi32>
      %slice3A_729 = vector.extract_strided_slice %get3A_722 {offsets = [3], sizes = [1], strides = [1]} : vector<16xi32> to vector<1xi32>
      %squeeze3A_730 = vector.extract %slice3A_729[0] : i32 from vector<1xi32>
      %slice3A_731 = vector.extract_strided_slice %get3A_722 {offsets = [4], sizes = [1], strides = [1]} : vector<16xi32> to vector<1xi32>
      %squeeze3A_732 = vector.extract %slice3A_731[0] : i32 from vector<1xi32>
      %slice3A_733 = vector.extract_strided_slice %get3A_722 {offsets = [5], sizes = [1], strides = [1]} : vector<16xi32> to vector<1xi32>
      %squeeze3A_734 = vector.extract %slice3A_733[0] : i32 from vector<1xi32>
      %slice3A_735 = vector.extract_strided_slice %get3A_722 {offsets = [6], sizes = [1], strides = [1]} : vector<16xi32> to vector<1xi32>
      %squeeze3A_736 = vector.extract %slice3A_735[0] : i32 from vector<1xi32>
      %slice3A_737 = vector.extract_strided_slice %get3A_722 {offsets = [7], sizes = [1], strides = [1]} : vector<16xi32> to vector<1xi32>
      %squeeze3A_738 = vector.extract %slice3A_737[0] : i32 from vector<1xi32>
      %slice3A_739 = vector.extract_strided_slice %get3A_722 {offsets = [8], sizes = [1], strides = [1]} : vector<16xi32> to vector<1xi32>
      %squeeze3A_740 = vector.extract %slice3A_739[0] : i32 from vector<1xi32>
      %slice3A_741 = vector.extract_strided_slice %get3A_722 {offsets = [9], sizes = [1], strides = [1]} : vector<16xi32> to vector<1xi32>
      %squeeze3A_742 = vector.extract %slice3A_741[0] : i32 from vector<1xi32>
      %slice3A_743 = vector.extract_strided_slice %get3A_722 {offsets = [10], sizes = [1], strides = [1]} : vector<16xi32> to vector<1xi32>
      %squeeze3A_744 = vector.extract %slice3A_743[0] : i32 from vector<1xi32>
      %slice3A_745 = vector.extract_strided_slice %get3A_722 {offsets = [11], sizes = [1], strides = [1]} : vector<16xi32> to vector<1xi32>
      %squeeze3A_746 = vector.extract %slice3A_745[0] : i32 from vector<1xi32>
      %slice3A_747 = vector.extract_strided_slice %get3A_722 {offsets = [12], sizes = [1], strides = [1]} : vector<16xi32> to vector<1xi32>
      %squeeze3A_748 = vector.extract %slice3A_747[0] : i32 from vector<1xi32>
      %slice3A_749 = vector.extract_strided_slice %get3A_722 {offsets = [13], sizes = [1], strides = [1]} : vector<16xi32> to vector<1xi32>
      %squeeze3A_750 = vector.extract %slice3A_749[0] : i32 from vector<1xi32>
      %slice3A_751 = vector.extract_strided_slice %get3A_722 {offsets = [14], sizes = [1], strides = [1]} : vector<16xi32> to vector<1xi32>
      %squeeze3A_752 = vector.extract %slice3A_751[0] : i32 from vector<1xi32>
      %slice3A_753 = vector.extract_strided_slice %get3A_722 {offsets = [15], sizes = [1], strides = [1]} : vector<16xi32> to vector<1xi32>
      %squeeze3A_754 = vector.extract %slice3A_753[0] : i32 from vector<1xi32>
      %dma_wait3A_755 = arith.constant 0 : i32
      %dma_wait3A_756 = arith.constant 0 : i32
      %dma_wait3A_757 = arith.constant 0 : i32
      %dma_wait3A_758 = tpu.memref_slice %arg6[%dma_wait3A_755, %dma_wait3A_756, %dma_wait3A_757] : memref<8x64x128xf32, #tpu.memory_space<vmem>> -> memref<1x64x128xf32, #tpu.memory_space<vmem>>
      %dma_wait3A_759 = tpu.memref_squeeze %dma_wait3A_758 : memref<1x64x128xf32, #tpu.memory_space<vmem>> -> memref<64x128xf32, #tpu.memory_space<vmem>>
      %dma_wait3A_760 = arith.constant 0 : i32
      %dma_wait3A_761 = arith.constant 0 : i32
      %dma_wait3A_762 = tpu.memref_slice %arg3[%dma_wait3A_760, %dma_wait3A_761] : memref<64x1000000xf32, #tpu.memory_space<hbm>> -> memref<64x128xf32, #tpu.memory_space<hbm>>
      %dma_wait3A_763 = arith.constant 0 : i32
      %dma_wait3A_764 = arith.constant 0 : i32
      %dma_wait3A_765 = tpu.memref_slice %arg6[%dma_wait3A_755, %dma_wait3A_763, %dma_wait3A_764] : memref<8x64x128xf32, #tpu.memory_space<vmem>> -> memref<1x64x128xf32, #tpu.memory_space<vmem>>
      %dma_wait3A_766 = tpu.memref_squeeze %dma_wait3A_765 : memref<1x64x128xf32, #tpu.memory_space<vmem>> -> memref<64x128xf32, #tpu.memory_space<vmem>>
      %dma_wait3A_767 = arith.constant 0 : i32
      %dma_wait3A_768 = arith.constant 0 : i32
      %dma_wait3A_769 = tpu.memref_slice %arg3[%dma_wait3A_767, %dma_wait3A_768] : memref<64x1000000xf32, #tpu.memory_space<hbm>> -> memref<64x128xf32, #tpu.memory_space<hbm>>
      tpu.wait_dma2 semaphore(%arg8 : memref<!tpu.dma_semaphore, #tpu.memory_space<semaphore_mem>>) src(%dma_wait3A_769 : memref<64x128xf32, #tpu.memory_space<hbm>>) dst(%dma_wait3A_766 : memref<64x128xf32, #tpu.memory_space<vmem>>)
      %add3A_770 = arith.constant 8 : i32
      %add3A_771 = arith.addi %multiple_of3A_214, %add3A_770 : i32
      %add3A_772 = arith.constant 0 : i32
      %add3A_773 = arith.addi %add3A_771, %add3A_772 : i32
      %and3A_774 = arith.constant 127 : i32
      %and3A_775 = arith.andi %scan3A_204, %and3A_774 : i32
      %broadcast_in_dim3A_776 = vector.broadcast %and3A_775 : i32 to vector<16xi32>
      %broadcast_in_dim3A_777 = vector.broadcast %add3A_773 : i32 to vector<16xi32>
      %gather3A_778 = arith.constant 0 : i32
      %gather3A_779 = arith.constant 0 : i32
      %gather3A_780 = arith.constant 0 : i32
      %gather3A_781 = tpu.memref_slice %arg6[%gather3A_778, %gather3A_779, %gather3A_780] : memref<8x64x128xf32, #tpu.memory_space<vmem>> -> memref<1x64x128xf32, #tpu.memory_space<vmem>>
      %gather3A_782 = tpu.memref_squeeze %gather3A_781 : memref<1x64x128xf32, #tpu.memory_space<vmem>> -> memref<64x128xf32, #tpu.memory_space<vmem>>
      %gather3A_783 = tpu.vector_load_idx %gather3A_782[%add3A_5, %broadcast_in_dim3A_776] : memref<64x128xf32, #tpu.memory_space<vmem>>[vector<16xi32>, vector<16xi32>], vector<16xf32>,
      tpu.vector_store_idx %arg7[%add3A_5, %broadcast_in_dim3A_777], %gather3A_783 : memref<64x512xf32, #tpu.memory_space<vmem>>[vector<16xi32>, vector<16xi32>], vector<16xf32>,
      %gather3A_784 = arith.constant 0 : i32
      %gather3A_785 = arith.constant 0 : i32
      %gather3A_786 = arith.constant 0 : i32
      %gather3A_787 = tpu.memref_slice %arg6[%gather3A_784, %gather3A_785, %gather3A_786] : memref<8x64x128xf32, #tpu.memory_space<vmem>> -> memref<1x64x128xf32, #tpu.memory_space<vmem>>
      %gather3A_788 = tpu.memref_squeeze %gather3A_787 : memref<1x64x128xf32, #tpu.memory_space<vmem>> -> memref<64x128xf32, #tpu.memory_space<vmem>>
      %gather3A_789 = tpu.vector_load_idx %gather3A_788[%add3A_9, %broadcast_in_dim3A_776] : memref<64x128xf32, #tpu.memory_space<vmem>>[vector<16xi32>, vector<16xi32>], vector<16xf32>,
      tpu.vector_store_idx %arg7[%add3A_9, %broadcast_in_dim3A_777], %gather3A_789 : memref<64x512xf32, #tpu.memory_space<vmem>>[vector<16xi32>, vector<16xi32>], vector<16xf32>,
      %gather3A_790 = arith.constant 0 : i32
      %gather3A_791 = arith.constant 0 : i32
      %gather3A_792 = arith.constant 0 : i32
      %gather3A_793 = tpu.memref_slice %arg6[%gather3A_790, %gather3A_791, %gather3A_792] : memref<8x64x128xf32, #tpu.memory_space<vmem>> -> memref<1x64x128xf32, #tpu.memory_space<vmem>>
      %gather3A_794 = tpu.memref_squeeze %gather3A_793 : memref<1x64x128xf32, #tpu.memory_space<vmem>> -> memref<64x128xf32, #tpu.memory_space<vmem>>
      %gather3A_795 = tpu.vector_load_idx %gather3A_794[%add3A_13, %broadcast_in_dim3A_776] : memref<64x128xf32, #tpu.memory_space<vmem>>[vector<16xi32>, vector<16xi32>], vector<16xf32>,
      tpu.vector_store_idx %arg7[%add3A_13, %broadcast_in_dim3A_777], %gather3A_795 : memref<64x512xf32, #tpu.memory_space<vmem>>[vector<16xi32>, vector<16xi32>], vector<16xf32>,
      %gather3A_796 = arith.constant 0 : i32
      %gather3A_797 = arith.constant 0 : i32
      %gather3A_798 = arith.constant 0 : i32
      %gather3A_799 = tpu.memref_slice %arg6[%gather3A_796, %gather3A_797, %gather3A_798] : memref<8x64x128xf32, #tpu.memory_space<vmem>> -> memref<1x64x128xf32, #tpu.memory_space<vmem>>
      %gather3A_800 = tpu.memref_squeeze %gather3A_799 : memref<1x64x128xf32, #tpu.memory_space<vmem>> -> memref<64x128xf32, #tpu.memory_space<vmem>>
      %gather3A_801 = tpu.vector_load_idx %gather3A_800[%add3A_17, %broadcast_in_dim3A_776] : memref<64x128xf32, #tpu.memory_space<vmem>>[vector<16xi32>, vector<16xi32>], vector<16xf32>,
      tpu.vector_store_idx %arg7[%add3A_17, %broadcast_in_dim3A_777], %gather3A_801 : memref<64x512xf32, #tpu.memory_space<vmem>>[vector<16xi32>, vector<16xi32>], vector<16xf32>,
      %add3A_802 = arith.constant 1 : i32
      %add3A_803 = arith.addi %scan3A_195, %add3A_802 : i32
      %lt3A = arith.constant 32 : i32
      %lt3A_804 = arith.cmpi slt, %add3A_803, %lt3A : i32
      %convert_element_type3A = arith.extui %lt3A_804 : i1 to i32
      %cond3A = arith.constant 0 : i32
      %cond3A_805 = arith.cmpi ne, %convert_element_type3A, %cond3A : i32
      scf.if %cond3A_805 {
        %shift_right_arithmetic3A_1184 = arith.constant 7 : i32
        %shift_right_arithmetic3A_1185 = arith.shrsi %squeeze3A_724, %shift_right_arithmetic3A_1184 : i32
        %shift_left3A_1186 = arith.constant 7 : i32
        %shift_left3A_1187 = arith.shli %shift_right_arithmetic3A_1185, %shift_left3A_1186 : i32
        %multiple_of3A_1188 = tpu.assume_multiple %shift_left3A_1187, 128 : i32
        %dma_start3A_1189 = arith.constant 0 : i32
        %dma_start3A_1190 = arith.constant 0 : i32
        %dma_start3A_1191 = arith.constant 0 : i32
        %dma_start3A_1192 = tpu.memref_slice %arg6[%dma_start3A_1189, %dma_start3A_1190, %dma_start3A_1191] : memref<8x64x128xf32, #tpu.memory_space<vmem>> -> memref<1x64x128xf32, #tpu.memory_space<vmem>>
        %dma_start3A_1193 = tpu.memref_squeeze %dma_start3A_1192 : memref<1x64x128xf32, #tpu.memory_space<vmem>> -> memref<64x128xf32, #tpu.memory_space<vmem>>
        %dma_start3A_1194 = arith.constant 0 : i32
        %dma_start3A_1195 = tpu.memref_slice %arg3[%dma_start3A_1194, %multiple_of3A_1188] : memref<64x1000000xf32, #tpu.memory_space<hbm>> -> memref<64x128xf32, #tpu.memory_space<hbm>>
        %dma_start3A_1196 = arith.constant 0 : i32
        %dma_start3A_1197 = arith.constant 0 : i32
        %dma_start3A_1198 = tpu.memref_slice %arg6[%dma_start3A_1189, %dma_start3A_1196, %dma_start3A_1197] : memref<8x64x128xf32, #tpu.memory_space<vmem>> -> memref<1x64x128xf32, #tpu.memory_space<vmem>>
        %dma_start3A_1199 = tpu.memref_squeeze %dma_start3A_1198 : memref<1x64x128xf32, #tpu.memory_space<vmem>> -> memref<64x128xf32, #tpu.memory_space<vmem>>
        %dma_start3A_1200 = arith.constant 0 : i32
        %dma_start3A_1201 = tpu.memref_slice %arg3[%dma_start3A_1200, %multiple_of3A_1188] : memref<64x1000000xf32, #tpu.memory_space<hbm>> -> memref<64x128xf32, #tpu.memory_space<hbm>>
        tpu.enqueue_dma source(%dma_start3A_1201 : memref<64x128xf32, #tpu.memory_space<hbm>>) target(%dma_start3A_1199 : memref<64x128xf32, #tpu.memory_space<vmem>>) target_semaphore(%arg8 : memref<!tpu.dma_semaphore, #tpu.memory_space<semaphore_mem>>)
      } else {
      }
      %dma_wait3A_806 = arith.constant 1 : i32
      %dma_wait3A_807 = arith.constant 0 : i32
      %dma_wait3A_808 = arith.constant 0 : i32
      %dma_wait3A_809 = tpu.memref_slice %arg6[%dma_wait3A_806, %dma_wait3A_807, %dma_wait3A_808] : memref<8x64x128xf32, #tpu.memory_space<vmem>> -> memref<1x64x128xf32, #tpu.memory_space<vmem>>
      %dma_wait3A_810 = tpu.memref_squeeze %dma_wait3A_809 : memref<1x64x128xf32, #tpu.memory_space<vmem>> -> memref<64x128xf32, #tpu.memory_space<vmem>>
      %dma_wait3A_811 = arith.constant 0 : i32
      %dma_wait3A_812 = arith.constant 0 : i32
      %dma_wait3A_813 = tpu.memref_slice %arg3[%dma_wait3A_811, %dma_wait3A_812] : memref<64x1000000xf32, #tpu.memory_space<hbm>> -> memref<64x128xf32, #tpu.memory_space<hbm>>
      %dma_wait3A_814 = arith.constant 0 : i32
      %dma_wait3A_815 = arith.constant 0 : i32
      %dma_wait3A_816 = tpu.memref_slice %arg6[%dma_wait3A_806, %dma_wait3A_814, %dma_wait3A_815] : memref<8x64x128xf32, #tpu.memory_space<vmem>> -> memref<1x64x128xf32, #tpu.memory_space<vmem>>
      %dma_wait3A_817 = tpu.memref_squeeze %dma_wait3A_816 : memref<1x64x128xf32, #tpu.memory_space<vmem>> -> memref<64x128xf32, #tpu.memory_space<vmem>>
      %dma_wait3A_818 = arith.constant 0 : i32
      %dma_wait3A_819 = arith.constant 0 : i32
      %dma_wait3A_820 = tpu.memref_slice %arg3[%dma_wait3A_818, %dma_wait3A_819] : memref<64x1000000xf32, #tpu.memory_space<hbm>> -> memref<64x128xf32, #tpu.memory_space<hbm>>
      tpu.wait_dma2 semaphore(%arg9 : memref<!tpu.dma_semaphore, #tpu.memory_space<semaphore_mem>>) src(%dma_wait3A_820 : memref<64x128xf32, #tpu.memory_space<hbm>>) dst(%dma_wait3A_817 : memref<64x128xf32, #tpu.memory_space<vmem>>)
      %add3A_821 = arith.constant 8 : i32
      %add3A_822 = arith.addi %multiple_of3A_214, %add3A_821 : i32
      %add3A_823 = arith.constant 1 : i32
      %add3A_824 = arith.addi %add3A_822, %add3A_823 : i32
      %and3A_825 = arith.constant 127 : i32
      %and3A_826 = arith.andi %scan3A_205, %and3A_825 : i32
      %broadcast_in_dim3A_827 = vector.broadcast %and3A_826 : i32 to vector<16xi32>
      %broadcast_in_dim3A_828 = vector.broadcast %add3A_824 : i32 to vector<16xi32>
      %gather3A_829 = arith.constant 1 : i32
      %gather3A_830 = arith.constant 0 : i32
      %gather3A_831 = arith.constant 0 : i32
      %gather3A_832 = tpu.memref_slice %arg6[%gather3A_829, %gather3A_830, %gather3A_831] : memref<8x64x128xf32, #tpu.memory_space<vmem>> -> memref<1x64x128xf32, #tpu.memory_space<vmem>>
      %gather3A_833 = tpu.memref_squeeze %gather3A_832 : memref<1x64x128xf32, #tpu.memory_space<vmem>> -> memref<64x128xf32, #tpu.memory_space<vmem>>
      %gather3A_834 = tpu.vector_load_idx %gather3A_833[%add3A_5, %broadcast_in_dim3A_827] : memref<64x128xf32, #tpu.memory_space<vmem>>[vector<16xi32>, vector<16xi32>], vector<16xf32>,
      tpu.vector_store_idx %arg7[%add3A_5, %broadcast_in_dim3A_828], %gather3A_834 : memref<64x512xf32, #tpu.memory_space<vmem>>[vector<16xi32>, vector<16xi32>], vector<16xf32>,
      %gather3A_835 = arith.constant 1 : i32
      %gather3A_836 = arith.constant 0 : i32
      %gather3A_837 = arith.constant 0 : i32
      %gather3A_838 = tpu.memref_slice %arg6[%gather3A_835, %gather3A_836, %gather3A_837] : memref<8x64x128xf32, #tpu.memory_space<vmem>> -> memref<1x64x128xf32, #tpu.memory_space<vmem>>
      %gather3A_839 = tpu.memref_squeeze %gather3A_838 : memref<1x64x128xf32, #tpu.memory_space<vmem>> -> memref<64x128xf32, #tpu.memory_space<vmem>>
      %gather3A_840 = tpu.vector_load_idx %gather3A_839[%add3A_9, %broadcast_in_dim3A_827] : memref<64x128xf32, #tpu.memory_space<vmem>>[vector<16xi32>, vector<16xi32>], vector<16xf32>,
      tpu.vector_store_idx %arg7[%add3A_9, %broadcast_in_dim3A_828], %gather3A_840 : memref<64x512xf32, #tpu.memory_space<vmem>>[vector<16xi32>, vector<16xi32>], vector<16xf32>,
      %gather3A_841 = arith.constant 1 : i32
      %gather3A_842 = arith.constant 0 : i32
      %gather3A_843 = arith.constant 0 : i32
      %gather3A_844 = tpu.memref_slice %arg6[%gather3A_841, %gather3A_842, %gather3A_843] : memref<8x64x128xf32, #tpu.memory_space<vmem>> -> memref<1x64x128xf32, #tpu.memory_space<vmem>>
      %gather3A_845 = tpu.memref_squeeze %gather3A_844 : memref<1x64x128xf32, #tpu.memory_space<vmem>> -> memref<64x128xf32, #tpu.memory_space<vmem>>
      %gather3A_846 = tpu.vector_load_idx %gather3A_845[%add3A_13, %broadcast_in_dim3A_827] : memref<64x128xf32, #tpu.memory_space<vmem>>[vector<16xi32>, vector<16xi32>], vector<16xf32>,
      tpu.vector_store_idx %arg7[%add3A_13, %broadcast_in_dim3A_828], %gather3A_846 : memref<64x512xf32, #tpu.memory_space<vmem>>[vector<16xi32>, vector<16xi32>], vector<16xf32>,
      %gather3A_847 = arith.constant 1 : i32
      %gather3A_848 = arith.constant 0 : i32
      %gather3A_849 = arith.constant 0 : i32
      %gather3A_850 = tpu.memref_slice %arg6[%gather3A_847, %gather3A_848, %gather3A_849] : memref<8x64x128xf32, #tpu.memory_space<vmem>> -> memref<1x64x128xf32, #tpu.memory_space<vmem>>
      %gather3A_851 = tpu.memref_squeeze %gather3A_850 : memref<1x64x128xf32, #tpu.memory_space<vmem>> -> memref<64x128xf32, #tpu.memory_space<vmem>>
      %gather3A_852 = tpu.vector_load_idx %gather3A_851[%add3A_17, %broadcast_in_dim3A_827] : memref<64x128xf32, #tpu.memory_space<vmem>>[vector<16xi32>, vector<16xi32>], vector<16xf32>,
      tpu.vector_store_idx %arg7[%add3A_17, %broadcast_in_dim3A_828], %gather3A_852 : memref<64x512xf32, #tpu.memory_space<vmem>>[vector<16xi32>, vector<16xi32>], vector<16xf32>,
      %add3A_853 = arith.constant 1 : i32
      %add3A_854 = arith.addi %scan3A_195, %add3A_853 : i32
      %lt3A_855 = arith.constant 32 : i32
      %lt3A_856 = arith.cmpi slt, %add3A_854, %lt3A_855 : i32
      %convert_element_type3A_857 = arith.extui %lt3A_856 : i1 to i32
      %cond3A_858 = arith.constant 0 : i32
      %cond3A_859 = arith.cmpi ne, %convert_element_type3A_857, %cond3A_858 : i32
      scf.if %cond3A_859 {
        %shift_right_arithmetic3A_1184 = arith.constant 7 : i32
        %shift_right_arithmetic3A_1185 = arith.shrsi %squeeze3A_726, %shift_right_arithmetic3A_1184 : i32
        %shift_left3A_1186 = arith.constant 7 : i32
        %shift_left3A_1187 = arith.shli %shift_right_arithmetic3A_1185, %shift_left3A_1186 : i32
        %multiple_of3A_1188 = tpu.assume_multiple %shift_left3A_1187, 128 : i32
        %dma_start3A_1189 = arith.constant 1 : i32
        %dma_start3A_1190 = arith.constant 0 : i32
        %dma_start3A_1191 = arith.constant 0 : i32
        %dma_start3A_1192 = tpu.memref_slice %arg6[%dma_start3A_1189, %dma_start3A_1190, %dma_start3A_1191] : memref<8x64x128xf32, #tpu.memory_space<vmem>> -> memref<1x64x128xf32, #tpu.memory_space<vmem>>
        %dma_start3A_1193 = tpu.memref_squeeze %dma_start3A_1192 : memref<1x64x128xf32, #tpu.memory_space<vmem>> -> memref<64x128xf32, #tpu.memory_space<vmem>>
        %dma_start3A_1194 = arith.constant 0 : i32
        %dma_start3A_1195 = tpu.memref_slice %arg3[%dma_start3A_1194, %multiple_of3A_1188] : memref<64x1000000xf32, #tpu.memory_space<hbm>> -> memref<64x128xf32, #tpu.memory_space<hbm>>
        %dma_start3A_1196 = arith.constant 0 : i32
        %dma_start3A_1197 = arith.constant 0 : i32
        %dma_start3A_1198 = tpu.memref_slice %arg6[%dma_start3A_1189, %dma_start3A_1196, %dma_start3A_1197] : memref<8x64x128xf32, #tpu.memory_space<vmem>> -> memref<1x64x128xf32, #tpu.memory_space<vmem>>
        %dma_start3A_1199 = tpu.memref_squeeze %dma_start3A_1198 : memref<1x64x128xf32, #tpu.memory_space<vmem>> -> memref<64x128xf32, #tpu.memory_space<vmem>>
        %dma_start3A_1200 = arith.constant 0 : i32
        %dma_start3A_1201 = tpu.memref_slice %arg3[%dma_start3A_1200, %multiple_of3A_1188] : memref<64x1000000xf32, #tpu.memory_space<hbm>> -> memref<64x128xf32, #tpu.memory_space<hbm>>
        tpu.enqueue_dma source(%dma_start3A_1201 : memref<64x128xf32, #tpu.memory_space<hbm>>) target(%dma_start3A_1199 : memref<64x128xf32, #tpu.memory_space<vmem>>) target_semaphore(%arg9 : memref<!tpu.dma_semaphore, #tpu.memory_space<semaphore_mem>>)
      } else {
      }
      %dma_wait3A_860 = arith.constant 2 : i32
      %dma_wait3A_861 = arith.constant 0 : i32
      %dma_wait3A_862 = arith.constant 0 : i32
      %dma_wait3A_863 = tpu.memref_slice %arg6[%dma_wait3A_860, %dma_wait3A_861, %dma_wait3A_862] : memref<8x64x128xf32, #tpu.memory_space<vmem>> -> memref<1x64x128xf32, #tpu.memory_space<vmem>>
      %dma_wait3A_864 = tpu.memref_squeeze %dma_wait3A_863 : memref<1x64x128xf32, #tpu.memory_space<vmem>> -> memref<64x128xf32, #tpu.memory_space<vmem>>
      %dma_wait3A_865 = arith.constant 0 : i32
      %dma_wait3A_866 = arith.constant 0 : i32
      %dma_wait3A_867 = tpu.memref_slice %arg3[%dma_wait3A_865, %dma_wait3A_866] : memref<64x1000000xf32, #tpu.memory_space<hbm>> -> memref<64x128xf32, #tpu.memory_space<hbm>>
      %dma_wait3A_868 = arith.constant 0 : i32
      %dma_wait3A_869 = arith.constant 0 : i32
      %dma_wait3A_870 = tpu.memref_slice %arg6[%dma_wait3A_860, %dma_wait3A_868, %dma_wait3A_869] : memref<8x64x128xf32, #tpu.memory_space<vmem>> -> memref<1x64x128xf32, #tpu.memory_space<vmem>>
      %dma_wait3A_871 = tpu.memref_squeeze %dma_wait3A_870 : memref<1x64x128xf32, #tpu.memory_space<vmem>> -> memref<64x128xf32, #tpu.memory_space<vmem>>
      %dma_wait3A_872 = arith.constant 0 : i32
      %dma_wait3A_873 = arith.constant 0 : i32
      %dma_wait3A_874 = tpu.memref_slice %arg3[%dma_wait3A_872, %dma_wait3A_873] : memref<64x1000000xf32, #tpu.memory_space<hbm>> -> memref<64x128xf32, #tpu.memory_space<hbm>>
      tpu.wait_dma2 semaphore(%arg10 : memref<!tpu.dma_semaphore, #tpu.memory_space<semaphore_mem>>) src(%dma_wait3A_874 : memref<64x128xf32, #tpu.memory_space<hbm>>) dst(%dma_wait3A_871 : memref<64x128xf32, #tpu.memory_space<vmem>>)
      %add3A_875 = arith.constant 8 : i32
      %add3A_876 = arith.addi %multiple_of3A_214, %add3A_875 : i32
      %add3A_877 = arith.constant 2 : i32
      %add3A_878 = arith.addi %add3A_876, %add3A_877 : i32
      %and3A_879 = arith.constant 127 : i32
      %and3A_880 = arith.andi %scan3A_206, %and3A_879 : i32
      %broadcast_in_dim3A_881 = vector.broadcast %and3A_880 : i32 to vector<16xi32>
      %broadcast_in_dim3A_882 = vector.broadcast %add3A_878 : i32 to vector<16xi32>
      %gather3A_883 = arith.constant 2 : i32
      %gather3A_884 = arith.constant 0 : i32
      %gather3A_885 = arith.constant 0 : i32
      %gather3A_886 = tpu.memref_slice %arg6[%gather3A_883, %gather3A_884, %gather3A_885] : memref<8x64x128xf32, #tpu.memory_space<vmem>> -> memref<1x64x128xf32, #tpu.memory_space<vmem>>
      %gather3A_887 = tpu.memref_squeeze %gather3A_886 : memref<1x64x128xf32, #tpu.memory_space<vmem>> -> memref<64x128xf32, #tpu.memory_space<vmem>>
      %gather3A_888 = tpu.vector_load_idx %gather3A_887[%add3A_5, %broadcast_in_dim3A_881] : memref<64x128xf32, #tpu.memory_space<vmem>>[vector<16xi32>, vector<16xi32>], vector<16xf32>,
      tpu.vector_store_idx %arg7[%add3A_5, %broadcast_in_dim3A_882], %gather3A_888 : memref<64x512xf32, #tpu.memory_space<vmem>>[vector<16xi32>, vector<16xi32>], vector<16xf32>,
      %gather3A_889 = arith.constant 2 : i32
      %gather3A_890 = arith.constant 0 : i32
      %gather3A_891 = arith.constant 0 : i32
      %gather3A_892 = tpu.memref_slice %arg6[%gather3A_889, %gather3A_890, %gather3A_891] : memref<8x64x128xf32, #tpu.memory_space<vmem>> -> memref<1x64x128xf32, #tpu.memory_space<vmem>>
      %gather3A_893 = tpu.memref_squeeze %gather3A_892 : memref<1x64x128xf32, #tpu.memory_space<vmem>> -> memref<64x128xf32, #tpu.memory_space<vmem>>
      %gather3A_894 = tpu.vector_load_idx %gather3A_893[%add3A_9, %broadcast_in_dim3A_881] : memref<64x128xf32, #tpu.memory_space<vmem>>[vector<16xi32>, vector<16xi32>], vector<16xf32>,
      tpu.vector_store_idx %arg7[%add3A_9, %broadcast_in_dim3A_882], %gather3A_894 : memref<64x512xf32, #tpu.memory_space<vmem>>[vector<16xi32>, vector<16xi32>], vector<16xf32>,
      %gather3A_895 = arith.constant 2 : i32
      %gather3A_896 = arith.constant 0 : i32
      %gather3A_897 = arith.constant 0 : i32
      %gather3A_898 = tpu.memref_slice %arg6[%gather3A_895, %gather3A_896, %gather3A_897] : memref<8x64x128xf32, #tpu.memory_space<vmem>> -> memref<1x64x128xf32, #tpu.memory_space<vmem>>
      %gather3A_899 = tpu.memref_squeeze %gather3A_898 : memref<1x64x128xf32, #tpu.memory_space<vmem>> -> memref<64x128xf32, #tpu.memory_space<vmem>>
      %gather3A_900 = tpu.vector_load_idx %gather3A_899[%add3A_13, %broadcast_in_dim3A_881] : memref<64x128xf32, #tpu.memory_space<vmem>>[vector<16xi32>, vector<16xi32>], vector<16xf32>,
      tpu.vector_store_idx %arg7[%add3A_13, %broadcast_in_dim3A_882], %gather3A_900 : memref<64x512xf32, #tpu.memory_space<vmem>>[vector<16xi32>, vector<16xi32>], vector<16xf32>,
      %gather3A_901 = arith.constant 2 : i32
      %gather3A_902 = arith.constant 0 : i32
      %gather3A_903 = arith.constant 0 : i32
      %gather3A_904 = tpu.memref_slice %arg6[%gather3A_901, %gather3A_902, %gather3A_903] : memref<8x64x128xf32, #tpu.memory_space<vmem>> -> memref<1x64x128xf32, #tpu.memory_space<vmem>>
      %gather3A_905 = tpu.memref_squeeze %gather3A_904 : memref<1x64x128xf32, #tpu.memory_space<vmem>> -> memref<64x128xf32, #tpu.memory_space<vmem>>
      %gather3A_906 = tpu.vector_load_idx %gather3A_905[%add3A_17, %broadcast_in_dim3A_881] : memref<64x128xf32, #tpu.memory_space<vmem>>[vector<16xi32>, vector<16xi32>], vector<16xf32>,
      tpu.vector_store_idx %arg7[%add3A_17, %broadcast_in_dim3A_882], %gather3A_906 : memref<64x512xf32, #tpu.memory_space<vmem>>[vector<16xi32>, vector<16xi32>], vector<16xf32>,
      %add3A_907 = arith.constant 1 : i32
      %add3A_908 = arith.addi %scan3A_195, %add3A_907 : i32
      %lt3A_909 = arith.constant 32 : i32
      %lt3A_910 = arith.cmpi slt, %add3A_908, %lt3A_909 : i32
      %convert_element_type3A_911 = arith.extui %lt3A_910 : i1 to i32
      %cond3A_912 = arith.constant 0 : i32
      %cond3A_913 = arith.cmpi ne, %convert_element_type3A_911, %cond3A_912 : i32
      scf.if %cond3A_913 {
        %shift_right_arithmetic3A_1184 = arith.constant 7 : i32
        %shift_right_arithmetic3A_1185 = arith.shrsi %squeeze3A_728, %shift_right_arithmetic3A_1184 : i32
        %shift_left3A_1186 = arith.constant 7 : i32
        %shift_left3A_1187 = arith.shli %shift_right_arithmetic3A_1185, %shift_left3A_1186 : i32
        %multiple_of3A_1188 = tpu.assume_multiple %shift_left3A_1187, 128 : i32
        %dma_start3A_1189 = arith.constant 2 : i32
        %dma_start3A_1190 = arith.constant 0 : i32
        %dma_start3A_1191 = arith.constant 0 : i32
        %dma_start3A_1192 = tpu.memref_slice %arg6[%dma_start3A_1189, %dma_start3A_1190, %dma_start3A_1191] : memref<8x64x128xf32, #tpu.memory_space<vmem>> -> memref<1x64x128xf32, #tpu.memory_space<vmem>>
        %dma_start3A_1193 = tpu.memref_squeeze %dma_start3A_1192 : memref<1x64x128xf32, #tpu.memory_space<vmem>> -> memref<64x128xf32, #tpu.memory_space<vmem>>
        %dma_start3A_1194 = arith.constant 0 : i32
        %dma_start3A_1195 = tpu.memref_slice %arg3[%dma_start3A_1194, %multiple_of3A_1188] : memref<64x1000000xf32, #tpu.memory_space<hbm>> -> memref<64x128xf32, #tpu.memory_space<hbm>>
        %dma_start3A_1196 = arith.constant 0 : i32
        %dma_start3A_1197 = arith.constant 0 : i32
        %dma_start3A_1198 = tpu.memref_slice %arg6[%dma_start3A_1189, %dma_start3A_1196, %dma_start3A_1197] : memref<8x64x128xf32, #tpu.memory_space<vmem>> -> memref<1x64x128xf32, #tpu.memory_space<vmem>>
        %dma_start3A_1199 = tpu.memref_squeeze %dma_start3A_1198 : memref<1x64x128xf32, #tpu.memory_space<vmem>> -> memref<64x128xf32, #tpu.memory_space<vmem>>
        %dma_start3A_1200 = arith.constant 0 : i32
        %dma_start3A_1201 = tpu.memref_slice %arg3[%dma_start3A_1200, %multiple_of3A_1188] : memref<64x1000000xf32, #tpu.memory_space<hbm>> -> memref<64x128xf32, #tpu.memory_space<hbm>>
        tpu.enqueue_dma source(%dma_start3A_1201 : memref<64x128xf32, #tpu.memory_space<hbm>>) target(%dma_start3A_1199 : memref<64x128xf32, #tpu.memory_space<vmem>>) target_semaphore(%arg10 : memref<!tpu.dma_semaphore, #tpu.memory_space<semaphore_mem>>)
      } else {
      }
      %dma_wait3A_914 = arith.constant 3 : i32
      %dma_wait3A_915 = arith.constant 0 : i32
      %dma_wait3A_916 = arith.constant 0 : i32
      %dma_wait3A_917 = tpu.memref_slice %arg6[%dma_wait3A_914, %dma_wait3A_915, %dma_wait3A_916] : memref<8x64x128xf32, #tpu.memory_space<vmem>> -> memref<1x64x128xf32, #tpu.memory_space<vmem>>
      %dma_wait3A_918 = tpu.memref_squeeze %dma_wait3A_917 : memref<1x64x128xf32, #tpu.memory_space<vmem>> -> memref<64x128xf32, #tpu.memory_space<vmem>>
      %dma_wait3A_919 = arith.constant 0 : i32
      %dma_wait3A_920 = arith.constant 0 : i32
      %dma_wait3A_921 = tpu.memref_slice %arg3[%dma_wait3A_919, %dma_wait3A_920] : memref<64x1000000xf32, #tpu.memory_space<hbm>> -> memref<64x128xf32, #tpu.memory_space<hbm>>
      %dma_wait3A_922 = arith.constant 0 : i32
      %dma_wait3A_923 = arith.constant 0 : i32
      %dma_wait3A_924 = tpu.memref_slice %arg6[%dma_wait3A_914, %dma_wait3A_922, %dma_wait3A_923] : memref<8x64x128xf32, #tpu.memory_space<vmem>> -> memref<1x64x128xf32, #tpu.memory_space<vmem>>
      %dma_wait3A_925 = tpu.memref_squeeze %dma_wait3A_924 : memref<1x64x128xf32, #tpu.memory_space<vmem>> -> memref<64x128xf32, #tpu.memory_space<vmem>>
      %dma_wait3A_926 = arith.constant 0 : i32
      %dma_wait3A_927 = arith.constant 0 : i32
      %dma_wait3A_928 = tpu.memref_slice %arg3[%dma_wait3A_926, %dma_wait3A_927] : memref<64x1000000xf32, #tpu.memory_space<hbm>> -> memref<64x128xf32, #tpu.memory_space<hbm>>
      tpu.wait_dma2 semaphore(%arg11 : memref<!tpu.dma_semaphore, #tpu.memory_space<semaphore_mem>>) src(%dma_wait3A_928 : memref<64x128xf32, #tpu.memory_space<hbm>>) dst(%dma_wait3A_925 : memref<64x128xf32, #tpu.memory_space<vmem>>)
      %add3A_929 = arith.constant 8 : i32
      %add3A_930 = arith.addi %multiple_of3A_214, %add3A_929 : i32
      %add3A_931 = arith.constant 3 : i32
      %add3A_932 = arith.addi %add3A_930, %add3A_931 : i32
      %and3A_933 = arith.constant 127 : i32
      %and3A_934 = arith.andi %scan3A_207, %and3A_933 : i32
      %broadcast_in_dim3A_935 = vector.broadcast %and3A_934 : i32 to vector<16xi32>
      %broadcast_in_dim3A_936 = vector.broadcast %add3A_932 : i32 to vector<16xi32>
      %gather3A_937 = arith.constant 3 : i32
      %gather3A_938 = arith.constant 0 : i32
      %gather3A_939 = arith.constant 0 : i32
      %gather3A_940 = tpu.memref_slice %arg6[%gather3A_937, %gather3A_938, %gather3A_939] : memref<8x64x128xf32, #tpu.memory_space<vmem>> -> memref<1x64x128xf32, #tpu.memory_space<vmem>>
      %gather3A_941 = tpu.memref_squeeze %gather3A_940 : memref<1x64x128xf32, #tpu.memory_space<vmem>> -> memref<64x128xf32, #tpu.memory_space<vmem>>
      %gather3A_942 = tpu.vector_load_idx %gather3A_941[%add3A_5, %broadcast_in_dim3A_935] : memref<64x128xf32, #tpu.memory_space<vmem>>[vector<16xi32>, vector<16xi32>], vector<16xf32>,
      tpu.vector_store_idx %arg7[%add3A_5, %broadcast_in_dim3A_936], %gather3A_942 : memref<64x512xf32, #tpu.memory_space<vmem>>[vector<16xi32>, vector<16xi32>], vector<16xf32>,
      %gather3A_943 = arith.constant 3 : i32
      %gather3A_944 = arith.constant 0 : i32
      %gather3A_945 = arith.constant 0 : i32
      %gather3A_946 = tpu.memref_slice %arg6[%gather3A_943, %gather3A_944, %gather3A_945] : memref<8x64x128xf32, #tpu.memory_space<vmem>> -> memref<1x64x128xf32, #tpu.memory_space<vmem>>
      %gather3A_947 = tpu.memref_squeeze %gather3A_946 : memref<1x64x128xf32, #tpu.memory_space<vmem>> -> memref<64x128xf32, #tpu.memory_space<vmem>>
      %gather3A_948 = tpu.vector_load_idx %gather3A_947[%add3A_9, %broadcast_in_dim3A_935] : memref<64x128xf32, #tpu.memory_space<vmem>>[vector<16xi32>, vector<16xi32>], vector<16xf32>,
      tpu.vector_store_idx %arg7[%add3A_9, %broadcast_in_dim3A_936], %gather3A_948 : memref<64x512xf32, #tpu.memory_space<vmem>>[vector<16xi32>, vector<16xi32>], vector<16xf32>,
      %gather3A_949 = arith.constant 3 : i32
      %gather3A_950 = arith.constant 0 : i32
      %gather3A_951 = arith.constant 0 : i32
      %gather3A_952 = tpu.memref_slice %arg6[%gather3A_949, %gather3A_950, %gather3A_951] : memref<8x64x128xf32, #tpu.memory_space<vmem>> -> memref<1x64x128xf32, #tpu.memory_space<vmem>>
      %gather3A_953 = tpu.memref_squeeze %gather3A_952 : memref<1x64x128xf32, #tpu.memory_space<vmem>> -> memref<64x128xf32, #tpu.memory_space<vmem>>
      %gather3A_954 = tpu.vector_load_idx %gather3A_953[%add3A_13, %broadcast_in_dim3A_935] : memref<64x128xf32, #tpu.memory_space<vmem>>[vector<16xi32>, vector<16xi32>], vector<16xf32>,
      tpu.vector_store_idx %arg7[%add3A_13, %broadcast_in_dim3A_936], %gather3A_954 : memref<64x512xf32, #tpu.memory_space<vmem>>[vector<16xi32>, vector<16xi32>], vector<16xf32>,
      %gather3A_955 = arith.constant 3 : i32
      %gather3A_956 = arith.constant 0 : i32
      %gather3A_957 = arith.constant 0 : i32
      %gather3A_958 = tpu.memref_slice %arg6[%gather3A_955, %gather3A_956, %gather3A_957] : memref<8x64x128xf32, #tpu.memory_space<vmem>> -> memref<1x64x128xf32, #tpu.memory_space<vmem>>
      %gather3A_959 = tpu.memref_squeeze %gather3A_958 : memref<1x64x128xf32, #tpu.memory_space<vmem>> -> memref<64x128xf32, #tpu.memory_space<vmem>>
      %gather3A_960 = tpu.vector_load_idx %gather3A_959[%add3A_17, %broadcast_in_dim3A_935] : memref<64x128xf32, #tpu.memory_space<vmem>>[vector<16xi32>, vector<16xi32>], vector<16xf32>,
      tpu.vector_store_idx %arg7[%add3A_17, %broadcast_in_dim3A_936], %gather3A_960 : memref<64x512xf32, #tpu.memory_space<vmem>>[vector<16xi32>, vector<16xi32>], vector<16xf32>,
      %add3A_961 = arith.constant 1 : i32
      %add3A_962 = arith.addi %scan3A_195, %add3A_961 : i32
      %lt3A_963 = arith.constant 32 : i32
      %lt3A_964 = arith.cmpi slt, %add3A_962, %lt3A_963 : i32
      %convert_element_type3A_965 = arith.extui %lt3A_964 : i1 to i32
      %cond3A_966 = arith.constant 0 : i32
      %cond3A_967 = arith.cmpi ne, %convert_element_type3A_965, %cond3A_966 : i32
      scf.if %cond3A_967 {
        %shift_right_arithmetic3A_1184 = arith.constant 7 : i32
        %shift_right_arithmetic3A_1185 = arith.shrsi %squeeze3A_730, %shift_right_arithmetic3A_1184 : i32
        %shift_left3A_1186 = arith.constant 7 : i32
        %shift_left3A_1187 = arith.shli %shift_right_arithmetic3A_1185, %shift_left3A_1186 : i32
        %multiple_of3A_1188 = tpu.assume_multiple %shift_left3A_1187, 128 : i32
        %dma_start3A_1189 = arith.constant 3 : i32
        %dma_start3A_1190 = arith.constant 0 : i32
        %dma_start3A_1191 = arith.constant 0 : i32
        %dma_start3A_1192 = tpu.memref_slice %arg6[%dma_start3A_1189, %dma_start3A_1190, %dma_start3A_1191] : memref<8x64x128xf32, #tpu.memory_space<vmem>> -> memref<1x64x128xf32, #tpu.memory_space<vmem>>
        %dma_start3A_1193 = tpu.memref_squeeze %dma_start3A_1192 : memref<1x64x128xf32, #tpu.memory_space<vmem>> -> memref<64x128xf32, #tpu.memory_space<vmem>>
        %dma_start3A_1194 = arith.constant 0 : i32
        %dma_start3A_1195 = tpu.memref_slice %arg3[%dma_start3A_1194, %multiple_of3A_1188] : memref<64x1000000xf32, #tpu.memory_space<hbm>> -> memref<64x128xf32, #tpu.memory_space<hbm>>
        %dma_start3A_1196 = arith.constant 0 : i32
        %dma_start3A_1197 = arith.constant 0 : i32
        %dma_start3A_1198 = tpu.memref_slice %arg6[%dma_start3A_1189, %dma_start3A_1196, %dma_start3A_1197] : memref<8x64x128xf32, #tpu.memory_space<vmem>> -> memref<1x64x128xf32, #tpu.memory_space<vmem>>
        %dma_start3A_1199 = tpu.memref_squeeze %dma_start3A_1198 : memref<1x64x128xf32, #tpu.memory_space<vmem>> -> memref<64x128xf32, #tpu.memory_space<vmem>>
        %dma_start3A_1200 = arith.constant 0 : i32
        %dma_start3A_1201 = tpu.memref_slice %arg3[%dma_start3A_1200, %multiple_of3A_1188] : memref<64x1000000xf32, #tpu.memory_space<hbm>> -> memref<64x128xf32, #tpu.memory_space<hbm>>
        tpu.enqueue_dma source(%dma_start3A_1201 : memref<64x128xf32, #tpu.memory_space<hbm>>) target(%dma_start3A_1199 : memref<64x128xf32, #tpu.memory_space<vmem>>) target_semaphore(%arg11 : memref<!tpu.dma_semaphore, #tpu.memory_space<semaphore_mem>>)
      } else {
      }
      %dma_wait3A_968 = arith.constant 4 : i32
      %dma_wait3A_969 = arith.constant 0 : i32
      %dma_wait3A_970 = arith.constant 0 : i32
      %dma_wait3A_971 = tpu.memref_slice %arg6[%dma_wait3A_968, %dma_wait3A_969, %dma_wait3A_970] : memref<8x64x128xf32, #tpu.memory_space<vmem>> -> memref<1x64x128xf32, #tpu.memory_space<vmem>>
      %dma_wait3A_972 = tpu.memref_squeeze %dma_wait3A_971 : memref<1x64x128xf32, #tpu.memory_space<vmem>> -> memref<64x128xf32, #tpu.memory_space<vmem>>
      %dma_wait3A_973 = arith.constant 0 : i32
      %dma_wait3A_974 = arith.constant 0 : i32
      %dma_wait3A_975 = tpu.memref_slice %arg3[%dma_wait3A_973, %dma_wait3A_974] : memref<64x1000000xf32, #tpu.memory_space<hbm>> -> memref<64x128xf32, #tpu.memory_space<hbm>>
      %dma_wait3A_976 = arith.constant 0 : i32
      %dma_wait3A_977 = arith.constant 0 : i32
      %dma_wait3A_978 = tpu.memref_slice %arg6[%dma_wait3A_968, %dma_wait3A_976, %dma_wait3A_977] : memref<8x64x128xf32, #tpu.memory_space<vmem>> -> memref<1x64x128xf32, #tpu.memory_space<vmem>>
      %dma_wait3A_979 = tpu.memref_squeeze %dma_wait3A_978 : memref<1x64x128xf32, #tpu.memory_space<vmem>> -> memref<64x128xf32, #tpu.memory_space<vmem>>
      %dma_wait3A_980 = arith.constant 0 : i32
      %dma_wait3A_981 = arith.constant 0 : i32
      %dma_wait3A_982 = tpu.memref_slice %arg3[%dma_wait3A_980, %dma_wait3A_981] : memref<64x1000000xf32, #tpu.memory_space<hbm>> -> memref<64x128xf32, #tpu.memory_space<hbm>>
      tpu.wait_dma2 semaphore(%arg12 : memref<!tpu.dma_semaphore, #tpu.memory_space<semaphore_mem>>) src(%dma_wait3A_982 : memref<64x128xf32, #tpu.memory_space<hbm>>) dst(%dma_wait3A_979 : memref<64x128xf32, #tpu.memory_space<vmem>>)
      %add3A_983 = arith.constant 8 : i32
      %add3A_984 = arith.addi %multiple_of3A_214, %add3A_983 : i32
      %add3A_985 = arith.constant 4 : i32
      %add3A_986 = arith.addi %add3A_984, %add3A_985 : i32
      %and3A_987 = arith.constant 127 : i32
      %and3A_988 = arith.andi %scan3A_208, %and3A_987 : i32
      %broadcast_in_dim3A_989 = vector.broadcast %and3A_988 : i32 to vector<16xi32>
      %broadcast_in_dim3A_990 = vector.broadcast %add3A_986 : i32 to vector<16xi32>
      %gather3A_991 = arith.constant 4 : i32
      %gather3A_992 = arith.constant 0 : i32
      %gather3A_993 = arith.constant 0 : i32
      %gather3A_994 = tpu.memref_slice %arg6[%gather3A_991, %gather3A_992, %gather3A_993] : memref<8x64x128xf32, #tpu.memory_space<vmem>> -> memref<1x64x128xf32, #tpu.memory_space<vmem>>
      %gather3A_995 = tpu.memref_squeeze %gather3A_994 : memref<1x64x128xf32, #tpu.memory_space<vmem>> -> memref<64x128xf32, #tpu.memory_space<vmem>>
      %gather3A_996 = tpu.vector_load_idx %gather3A_995[%add3A_5, %broadcast_in_dim3A_989] : memref<64x128xf32, #tpu.memory_space<vmem>>[vector<16xi32>, vector<16xi32>], vector<16xf32>,
      tpu.vector_store_idx %arg7[%add3A_5, %broadcast_in_dim3A_990], %gather3A_996 : memref<64x512xf32, #tpu.memory_space<vmem>>[vector<16xi32>, vector<16xi32>], vector<16xf32>,
      %gather3A_997 = arith.constant 4 : i32
      %gather3A_998 = arith.constant 0 : i32
      %gather3A_999 = arith.constant 0 : i32
      %gather3A_1000 = tpu.memref_slice %arg6[%gather3A_997, %gather3A_998, %gather3A_999] : memref<8x64x128xf32, #tpu.memory_space<vmem>> -> memref<1x64x128xf32, #tpu.memory_space<vmem>>
      %gather3A_1001 = tpu.memref_squeeze %gather3A_1000 : memref<1x64x128xf32, #tpu.memory_space<vmem>> -> memref<64x128xf32, #tpu.memory_space<vmem>>
      %gather3A_1002 = tpu.vector_load_idx %gather3A_1001[%add3A_9, %broadcast_in_dim3A_989] : memref<64x128xf32, #tpu.memory_space<vmem>>[vector<16xi32>, vector<16xi32>], vector<16xf32>,
      tpu.vector_store_idx %arg7[%add3A_9, %broadcast_in_dim3A_990], %gather3A_1002 : memref<64x512xf32, #tpu.memory_space<vmem>>[vector<16xi32>, vector<16xi32>], vector<16xf32>,
      %gather3A_1003 = arith.constant 4 : i32
      %gather3A_1004 = arith.constant 0 : i32
      %gather3A_1005 = arith.constant 0 : i32
      %gather3A_1006 = tpu.memref_slice %arg6[%gather3A_1003, %gather3A_1004, %gather3A_1005] : memref<8x64x128xf32, #tpu.memory_space<vmem>> -> memref<1x64x128xf32, #tpu.memory_space<vmem>>
      %gather3A_1007 = tpu.memref_squeeze %gather3A_1006 : memref<1x64x128xf32, #tpu.memory_space<vmem>> -> memref<64x128xf32, #tpu.memory_space<vmem>>
      %gather3A_1008 = tpu.vector_load_idx %gather3A_1007[%add3A_13, %broadcast_in_dim3A_989] : memref<64x128xf32, #tpu.memory_space<vmem>>[vector<16xi32>, vector<16xi32>], vector<16xf32>,
      tpu.vector_store_idx %arg7[%add3A_13, %broadcast_in_dim3A_990], %gather3A_1008 : memref<64x512xf32, #tpu.memory_space<vmem>>[vector<16xi32>, vector<16xi32>], vector<16xf32>,
      %gather3A_1009 = arith.constant 4 : i32
      %gather3A_1010 = arith.constant 0 : i32
      %gather3A_1011 = arith.constant 0 : i32
      %gather3A_1012 = tpu.memref_slice %arg6[%gather3A_1009, %gather3A_1010, %gather3A_1011] : memref<8x64x128xf32, #tpu.memory_space<vmem>> -> memref<1x64x128xf32, #tpu.memory_space<vmem>>
      %gather3A_1013 = tpu.memref_squeeze %gather3A_1012 : memref<1x64x128xf32, #tpu.memory_space<vmem>> -> memref<64x128xf32, #tpu.memory_space<vmem>>
      %gather3A_1014 = tpu.vector_load_idx %gather3A_1013[%add3A_17, %broadcast_in_dim3A_989] : memref<64x128xf32, #tpu.memory_space<vmem>>[vector<16xi32>, vector<16xi32>], vector<16xf32>,
      tpu.vector_store_idx %arg7[%add3A_17, %broadcast_in_dim3A_990], %gather3A_1014 : memref<64x512xf32, #tpu.memory_space<vmem>>[vector<16xi32>, vector<16xi32>], vector<16xf32>,
      %add3A_1015 = arith.constant 1 : i32
      %add3A_1016 = arith.addi %scan3A_195, %add3A_1015 : i32
      %lt3A_1017 = arith.constant 32 : i32
      %lt3A_1018 = arith.cmpi slt, %add3A_1016, %lt3A_1017 : i32
      %convert_element_type3A_1019 = arith.extui %lt3A_1018 : i1 to i32
      %cond3A_1020 = arith.constant 0 : i32
      %cond3A_1021 = arith.cmpi ne, %convert_element_type3A_1019, %cond3A_1020 : i32
      scf.if %cond3A_1021 {
        %shift_right_arithmetic3A_1184 = arith.constant 7 : i32
        %shift_right_arithmetic3A_1185 = arith.shrsi %squeeze3A_732, %shift_right_arithmetic3A_1184 : i32
        %shift_left3A_1186 = arith.constant 7 : i32
        %shift_left3A_1187 = arith.shli %shift_right_arithmetic3A_1185, %shift_left3A_1186 : i32
        %multiple_of3A_1188 = tpu.assume_multiple %shift_left3A_1187, 128 : i32
        %dma_start3A_1189 = arith.constant 4 : i32
        %dma_start3A_1190 = arith.constant 0 : i32
        %dma_start3A_1191 = arith.constant 0 : i32
        %dma_start3A_1192 = tpu.memref_slice %arg6[%dma_start3A_1189, %dma_start3A_1190, %dma_start3A_1191] : memref<8x64x128xf32, #tpu.memory_space<vmem>> -> memref<1x64x128xf32, #tpu.memory_space<vmem>>
        %dma_start3A_1193 = tpu.memref_squeeze %dma_start3A_1192 : memref<1x64x128xf32, #tpu.memory_space<vmem>> -> memref<64x128xf32, #tpu.memory_space<vmem>>
        %dma_start3A_1194 = arith.constant 0 : i32
        %dma_start3A_1195 = tpu.memref_slice %arg3[%dma_start3A_1194, %multiple_of3A_1188] : memref<64x1000000xf32, #tpu.memory_space<hbm>> -> memref<64x128xf32, #tpu.memory_space<hbm>>
        %dma_start3A_1196 = arith.constant 0 : i32
        %dma_start3A_1197 = arith.constant 0 : i32
        %dma_start3A_1198 = tpu.memref_slice %arg6[%dma_start3A_1189, %dma_start3A_1196, %dma_start3A_1197] : memref<8x64x128xf32, #tpu.memory_space<vmem>> -> memref<1x64x128xf32, #tpu.memory_space<vmem>>
        %dma_start3A_1199 = tpu.memref_squeeze %dma_start3A_1198 : memref<1x64x128xf32, #tpu.memory_space<vmem>> -> memref<64x128xf32, #tpu.memory_space<vmem>>
        %dma_start3A_1200 = arith.constant 0 : i32
        %dma_start3A_1201 = tpu.memref_slice %arg3[%dma_start3A_1200, %multiple_of3A_1188] : memref<64x1000000xf32, #tpu.memory_space<hbm>> -> memref<64x128xf32, #tpu.memory_space<hbm>>
        tpu.enqueue_dma source(%dma_start3A_1201 : memref<64x128xf32, #tpu.memory_space<hbm>>) target(%dma_start3A_1199 : memref<64x128xf32, #tpu.memory_space<vmem>>) target_semaphore(%arg12 : memref<!tpu.dma_semaphore, #tpu.memory_space<semaphore_mem>>)
      } else {
      }
      %dma_wait3A_1022 = arith.constant 5 : i32
      %dma_wait3A_1023 = arith.constant 0 : i32
      %dma_wait3A_1024 = arith.constant 0 : i32
      %dma_wait3A_1025 = tpu.memref_slice %arg6[%dma_wait3A_1022, %dma_wait3A_1023, %dma_wait3A_1024] : memref<8x64x128xf32, #tpu.memory_space<vmem>> -> memref<1x64x128xf32, #tpu.memory_space<vmem>>
      %dma_wait3A_1026 = tpu.memref_squeeze %dma_wait3A_1025 : memref<1x64x128xf32, #tpu.memory_space<vmem>> -> memref<64x128xf32, #tpu.memory_space<vmem>>
      %dma_wait3A_1027 = arith.constant 0 : i32
      %dma_wait3A_1028 = arith.constant 0 : i32
      %dma_wait3A_1029 = tpu.memref_slice %arg3[%dma_wait3A_1027, %dma_wait3A_1028] : memref<64x1000000xf32, #tpu.memory_space<hbm>> -> memref<64x128xf32, #tpu.memory_space<hbm>>
      %dma_wait3A_1030 = arith.constant 0 : i32
      %dma_wait3A_1031 = arith.constant 0 : i32
      %dma_wait3A_1032 = tpu.memref_slice %arg6[%dma_wait3A_1022, %dma_wait3A_1030, %dma_wait3A_1031] : memref<8x64x128xf32, #tpu.memory_space<vmem>> -> memref<1x64x128xf32, #tpu.memory_space<vmem>>
      %dma_wait3A_1033 = tpu.memref_squeeze %dma_wait3A_1032 : memref<1x64x128xf32, #tpu.memory_space<vmem>> -> memref<64x128xf32, #tpu.memory_space<vmem>>
      %dma_wait3A_1034 = arith.constant 0 : i32
      %dma_wait3A_1035 = arith.constant 0 : i32
      %dma_wait3A_1036 = tpu.memref_slice %arg3[%dma_wait3A_1034, %dma_wait3A_1035] : memref<64x1000000xf32, #tpu.memory_space<hbm>> -> memref<64x128xf32, #tpu.memory_space<hbm>>
      tpu.wait_dma2 semaphore(%arg13 : memref<!tpu.dma_semaphore, #tpu.memory_space<semaphore_mem>>) src(%dma_wait3A_1036 : memref<64x128xf32, #tpu.memory_space<hbm>>) dst(%dma_wait3A_1033 : memref<64x128xf32, #tpu.memory_space<vmem>>)
      %add3A_1037 = arith.constant 8 : i32
      %add3A_1038 = arith.addi %multiple_of3A_214, %add3A_1037 : i32
      %add3A_1039 = arith.constant 5 : i32
      %add3A_1040 = arith.addi %add3A_1038, %add3A_1039 : i32
      %and3A_1041 = arith.constant 127 : i32
      %and3A_1042 = arith.andi %scan3A_209, %and3A_1041 : i32
      %broadcast_in_dim3A_1043 = vector.broadcast %and3A_1042 : i32 to vector<16xi32>
      %broadcast_in_dim3A_1044 = vector.broadcast %add3A_1040 : i32 to vector<16xi32>
      %gather3A_1045 = arith.constant 5 : i32
      %gather3A_1046 = arith.constant 0 : i32
      %gather3A_1047 = arith.constant 0 : i32
      %gather3A_1048 = tpu.memref_slice %arg6[%gather3A_1045, %gather3A_1046, %gather3A_1047] : memref<8x64x128xf32, #tpu.memory_space<vmem>> -> memref<1x64x128xf32, #tpu.memory_space<vmem>>
      %gather3A_1049 = tpu.memref_squeeze %gather3A_1048 : memref<1x64x128xf32, #tpu.memory_space<vmem>> -> memref<64x128xf32, #tpu.memory_space<vmem>>
      %gather3A_1050 = tpu.vector_load_idx %gather3A_1049[%add3A_5, %broadcast_in_dim3A_1043] : memref<64x128xf32, #tpu.memory_space<vmem>>[vector<16xi32>, vector<16xi32>], vector<16xf32>,
      tpu.vector_store_idx %arg7[%add3A_5, %broadcast_in_dim3A_1044], %gather3A_1050 : memref<64x512xf32, #tpu.memory_space<vmem>>[vector<16xi32>, vector<16xi32>], vector<16xf32>,
      %gather3A_1051 = arith.constant 5 : i32
      %gather3A_1052 = arith.constant 0 : i32
      %gather3A_1053 = arith.constant 0 : i32
      %gather3A_1054 = tpu.memref_slice %arg6[%gather3A_1051, %gather3A_1052, %gather3A_1053] : memref<8x64x128xf32, #tpu.memory_space<vmem>> -> memref<1x64x128xf32, #tpu.memory_space<vmem>>
      %gather3A_1055 = tpu.memref_squeeze %gather3A_1054 : memref<1x64x128xf32, #tpu.memory_space<vmem>> -> memref<64x128xf32, #tpu.memory_space<vmem>>
      %gather3A_1056 = tpu.vector_load_idx %gather3A_1055[%add3A_9, %broadcast_in_dim3A_1043] : memref<64x128xf32, #tpu.memory_space<vmem>>[vector<16xi32>, vector<16xi32>], vector<16xf32>,
      tpu.vector_store_idx %arg7[%add3A_9, %broadcast_in_dim3A_1044], %gather3A_1056 : memref<64x512xf32, #tpu.memory_space<vmem>>[vector<16xi32>, vector<16xi32>], vector<16xf32>,
      %gather3A_1057 = arith.constant 5 : i32
      %gather3A_1058 = arith.constant 0 : i32
      %gather3A_1059 = arith.constant 0 : i32
      %gather3A_1060 = tpu.memref_slice %arg6[%gather3A_1057, %gather3A_1058, %gather3A_1059] : memref<8x64x128xf32, #tpu.memory_space<vmem>> -> memref<1x64x128xf32, #tpu.memory_space<vmem>>
      %gather3A_1061 = tpu.memref_squeeze %gather3A_1060 : memref<1x64x128xf32, #tpu.memory_space<vmem>> -> memref<64x128xf32, #tpu.memory_space<vmem>>
      %gather3A_1062 = tpu.vector_load_idx %gather3A_1061[%add3A_13, %broadcast_in_dim3A_1043] : memref<64x128xf32, #tpu.memory_space<vmem>>[vector<16xi32>, vector<16xi32>], vector<16xf32>,
      tpu.vector_store_idx %arg7[%add3A_13, %broadcast_in_dim3A_1044], %gather3A_1062 : memref<64x512xf32, #tpu.memory_space<vmem>>[vector<16xi32>, vector<16xi32>], vector<16xf32>,
      %gather3A_1063 = arith.constant 5 : i32
      %gather3A_1064 = arith.constant 0 : i32
      %gather3A_1065 = arith.constant 0 : i32
      %gather3A_1066 = tpu.memref_slice %arg6[%gather3A_1063, %gather3A_1064, %gather3A_1065] : memref<8x64x128xf32, #tpu.memory_space<vmem>> -> memref<1x64x128xf32, #tpu.memory_space<vmem>>
      %gather3A_1067 = tpu.memref_squeeze %gather3A_1066 : memref<1x64x128xf32, #tpu.memory_space<vmem>> -> memref<64x128xf32, #tpu.memory_space<vmem>>
      %gather3A_1068 = tpu.vector_load_idx %gather3A_1067[%add3A_17, %broadcast_in_dim3A_1043] : memref<64x128xf32, #tpu.memory_space<vmem>>[vector<16xi32>, vector<16xi32>], vector<16xf32>,
      tpu.vector_store_idx %arg7[%add3A_17, %broadcast_in_dim3A_1044], %gather3A_1068 : memref<64x512xf32, #tpu.memory_space<vmem>>[vector<16xi32>, vector<16xi32>], vector<16xf32>,
      %add3A_1069 = arith.constant 1 : i32
      %add3A_1070 = arith.addi %scan3A_195, %add3A_1069 : i32
      %lt3A_1071 = arith.constant 32 : i32
      %lt3A_1072 = arith.cmpi slt, %add3A_1070, %lt3A_1071 : i32
      %convert_element_type3A_1073 = arith.extui %lt3A_1072 : i1 to i32
      %cond3A_1074 = arith.constant 0 : i32
      %cond3A_1075 = arith.cmpi ne, %convert_element_type3A_1073, %cond3A_1074 : i32
      scf.if %cond3A_1075 {
        %shift_right_arithmetic3A_1184 = arith.constant 7 : i32
        %shift_right_arithmetic3A_1185 = arith.shrsi %squeeze3A_734, %shift_right_arithmetic3A_1184 : i32
        %shift_left3A_1186 = arith.constant 7 : i32
        %shift_left3A_1187 = arith.shli %shift_right_arithmetic3A_1185, %shift_left3A_1186 : i32
        %multiple_of3A_1188 = tpu.assume_multiple %shift_left3A_1187, 128 : i32
        %dma_start3A_1189 = arith.constant 5 : i32
        %dma_start3A_1190 = arith.constant 0 : i32
        %dma_start3A_1191 = arith.constant 0 : i32
        %dma_start3A_1192 = tpu.memref_slice %arg6[%dma_start3A_1189, %dma_start3A_1190, %dma_start3A_1191] : memref<8x64x128xf32, #tpu.memory_space<vmem>> -> memref<1x64x128xf32, #tpu.memory_space<vmem>>
        %dma_start3A_1193 = tpu.memref_squeeze %dma_start3A_1192 : memref<1x64x128xf32, #tpu.memory_space<vmem>> -> memref<64x128xf32, #tpu.memory_space<vmem>>
        %dma_start3A_1194 = arith.constant 0 : i32
        %dma_start3A_1195 = tpu.memref_slice %arg3[%dma_start3A_1194, %multiple_of3A_1188] : memref<64x1000000xf32, #tpu.memory_space<hbm>> -> memref<64x128xf32, #tpu.memory_space<hbm>>
        %dma_start3A_1196 = arith.constant 0 : i32
        %dma_start3A_1197 = arith.constant 0 : i32
        %dma_start3A_1198 = tpu.memref_slice %arg6[%dma_start3A_1189, %dma_start3A_1196, %dma_start3A_1197] : memref<8x64x128xf32, #tpu.memory_space<vmem>> -> memref<1x64x128xf32, #tpu.memory_space<vmem>>
        %dma_start3A_1199 = tpu.memref_squeeze %dma_start3A_1198 : memref<1x64x128xf32, #tpu.memory_space<vmem>> -> memref<64x128xf32, #tpu.memory_space<vmem>>
        %dma_start3A_1200 = arith.constant 0 : i32
        %dma_start3A_1201 = tpu.memref_slice %arg3[%dma_start3A_1200, %multiple_of3A_1188] : memref<64x1000000xf32, #tpu.memory_space<hbm>> -> memref<64x128xf32, #tpu.memory_space<hbm>>
        tpu.enqueue_dma source(%dma_start3A_1201 : memref<64x128xf32, #tpu.memory_space<hbm>>) target(%dma_start3A_1199 : memref<64x128xf32, #tpu.memory_space<vmem>>) target_semaphore(%arg13 : memref<!tpu.dma_semaphore, #tpu.memory_space<semaphore_mem>>)
      } else {
      }
      %dma_wait3A_1076 = arith.constant 6 : i32
      %dma_wait3A_1077 = arith.constant 0 : i32
      %dma_wait3A_1078 = arith.constant 0 : i32
      %dma_wait3A_1079 = tpu.memref_slice %arg6[%dma_wait3A_1076, %dma_wait3A_1077, %dma_wait3A_1078] : memref<8x64x128xf32, #tpu.memory_space<vmem>> -> memref<1x64x128xf32, #tpu.memory_space<vmem>>
      %dma_wait3A_1080 = tpu.memref_squeeze %dma_wait3A_1079 : memref<1x64x128xf32, #tpu.memory_space<vmem>> -> memref<64x128xf32, #tpu.memory_space<vmem>>
      %dma_wait3A_1081 = arith.constant 0 : i32
      %dma_wait3A_1082 = arith.constant 0 : i32
      %dma_wait3A_1083 = tpu.memref_slice %arg3[%dma_wait3A_1081, %dma_wait3A_1082] : memref<64x1000000xf32, #tpu.memory_space<hbm>> -> memref<64x128xf32, #tpu.memory_space<hbm>>
      %dma_wait3A_1084 = arith.constant 0 : i32
      %dma_wait3A_1085 = arith.constant 0 : i32
      %dma_wait3A_1086 = tpu.memref_slice %arg6[%dma_wait3A_1076, %dma_wait3A_1084, %dma_wait3A_1085] : memref<8x64x128xf32, #tpu.memory_space<vmem>> -> memref<1x64x128xf32, #tpu.memory_space<vmem>>
      %dma_wait3A_1087 = tpu.memref_squeeze %dma_wait3A_1086 : memref<1x64x128xf32, #tpu.memory_space<vmem>> -> memref<64x128xf32, #tpu.memory_space<vmem>>
      %dma_wait3A_1088 = arith.constant 0 : i32
      %dma_wait3A_1089 = arith.constant 0 : i32
      %dma_wait3A_1090 = tpu.memref_slice %arg3[%dma_wait3A_1088, %dma_wait3A_1089] : memref<64x1000000xf32, #tpu.memory_space<hbm>> -> memref<64x128xf32, #tpu.memory_space<hbm>>
      tpu.wait_dma2 semaphore(%arg14 : memref<!tpu.dma_semaphore, #tpu.memory_space<semaphore_mem>>) src(%dma_wait3A_1090 : memref<64x128xf32, #tpu.memory_space<hbm>>) dst(%dma_wait3A_1087 : memref<64x128xf32, #tpu.memory_space<vmem>>)
      %add3A_1091 = arith.constant 8 : i32
      %add3A_1092 = arith.addi %multiple_of3A_214, %add3A_1091 : i32
      %add3A_1093 = arith.constant 6 : i32
      %add3A_1094 = arith.addi %add3A_1092, %add3A_1093 : i32
      %and3A_1095 = arith.constant 127 : i32
      %and3A_1096 = arith.andi %scan3A_210, %and3A_1095 : i32
      %broadcast_in_dim3A_1097 = vector.broadcast %and3A_1096 : i32 to vector<16xi32>
      %broadcast_in_dim3A_1098 = vector.broadcast %add3A_1094 : i32 to vector<16xi32>
      %gather3A_1099 = arith.constant 6 : i32
      %gather3A_1100 = arith.constant 0 : i32
      %gather3A_1101 = arith.constant 0 : i32
      %gather3A_1102 = tpu.memref_slice %arg6[%gather3A_1099, %gather3A_1100, %gather3A_1101] : memref<8x64x128xf32, #tpu.memory_space<vmem>> -> memref<1x64x128xf32, #tpu.memory_space<vmem>>
      %gather3A_1103 = tpu.memref_squeeze %gather3A_1102 : memref<1x64x128xf32, #tpu.memory_space<vmem>> -> memref<64x128xf32, #tpu.memory_space<vmem>>
      %gather3A_1104 = tpu.vector_load_idx %gather3A_1103[%add3A_5, %broadcast_in_dim3A_1097] : memref<64x128xf32, #tpu.memory_space<vmem>>[vector<16xi32>, vector<16xi32>], vector<16xf32>,
      tpu.vector_store_idx %arg7[%add3A_5, %broadcast_in_dim3A_1098], %gather3A_1104 : memref<64x512xf32, #tpu.memory_space<vmem>>[vector<16xi32>, vector<16xi32>], vector<16xf32>,
      %gather3A_1105 = arith.constant 6 : i32
      %gather3A_1106 = arith.constant 0 : i32
      %gather3A_1107 = arith.constant 0 : i32
      %gather3A_1108 = tpu.memref_slice %arg6[%gather3A_1105, %gather3A_1106, %gather3A_1107] : memref<8x64x128xf32, #tpu.memory_space<vmem>> -> memref<1x64x128xf32, #tpu.memory_space<vmem>>
      %gather3A_1109 = tpu.memref_squeeze %gather3A_1108 : memref<1x64x128xf32, #tpu.memory_space<vmem>> -> memref<64x128xf32, #tpu.memory_space<vmem>>
      %gather3A_1110 = tpu.vector_load_idx %gather3A_1109[%add3A_9, %broadcast_in_dim3A_1097] : memref<64x128xf32, #tpu.memory_space<vmem>>[vector<16xi32>, vector<16xi32>], vector<16xf32>,
      tpu.vector_store_idx %arg7[%add3A_9, %broadcast_in_dim3A_1098], %gather3A_1110 : memref<64x512xf32, #tpu.memory_space<vmem>>[vector<16xi32>, vector<16xi32>], vector<16xf32>,
      %gather3A_1111 = arith.constant 6 : i32
      %gather3A_1112 = arith.constant 0 : i32
      %gather3A_1113 = arith.constant 0 : i32
      %gather3A_1114 = tpu.memref_slice %arg6[%gather3A_1111, %gather3A_1112, %gather3A_1113] : memref<8x64x128xf32, #tpu.memory_space<vmem>> -> memref<1x64x128xf32, #tpu.memory_space<vmem>>
      %gather3A_1115 = tpu.memref_squeeze %gather3A_1114 : memref<1x64x128xf32, #tpu.memory_space<vmem>> -> memref<64x128xf32, #tpu.memory_space<vmem>>
      %gather3A_1116 = tpu.vector_load_idx %gather3A_1115[%add3A_13, %broadcast_in_dim3A_1097] : memref<64x128xf32, #tpu.memory_space<vmem>>[vector<16xi32>, vector<16xi32>], vector<16xf32>,
      tpu.vector_store_idx %arg7[%add3A_13, %broadcast_in_dim3A_1098], %gather3A_1116 : memref<64x512xf32, #tpu.memory_space<vmem>>[vector<16xi32>, vector<16xi32>], vector<16xf32>,
      %gather3A_1117 = arith.constant 6 : i32
      %gather3A_1118 = arith.constant 0 : i32
      %gather3A_1119 = arith.constant 0 : i32
      %gather3A_1120 = tpu.memref_slice %arg6[%gather3A_1117, %gather3A_1118, %gather3A_1119] : memref<8x64x128xf32, #tpu.memory_space<vmem>> -> memref<1x64x128xf32, #tpu.memory_space<vmem>>
      %gather3A_1121 = tpu.memref_squeeze %gather3A_1120 : memref<1x64x128xf32, #tpu.memory_space<vmem>> -> memref<64x128xf32, #tpu.memory_space<vmem>>
      %gather3A_1122 = tpu.vector_load_idx %gather3A_1121[%add3A_17, %broadcast_in_dim3A_1097] : memref<64x128xf32, #tpu.memory_space<vmem>>[vector<16xi32>, vector<16xi32>], vector<16xf32>,
      tpu.vector_store_idx %arg7[%add3A_17, %broadcast_in_dim3A_1098], %gather3A_1122 : memref<64x512xf32, #tpu.memory_space<vmem>>[vector<16xi32>, vector<16xi32>], vector<16xf32>,
      %add3A_1123 = arith.constant 1 : i32
      %add3A_1124 = arith.addi %scan3A_195, %add3A_1123 : i32
      %lt3A_1125 = arith.constant 32 : i32
      %lt3A_1126 = arith.cmpi slt, %add3A_1124, %lt3A_1125 : i32
      %convert_element_type3A_1127 = arith.extui %lt3A_1126 : i1 to i32
      %cond3A_1128 = arith.constant 0 : i32
      %cond3A_1129 = arith.cmpi ne, %convert_element_type3A_1127, %cond3A_1128 : i32
      scf.if %cond3A_1129 {
        %shift_right_arithmetic3A_1184 = arith.constant 7 : i32
        %shift_right_arithmetic3A_1185 = arith.shrsi %squeeze3A_736, %shift_right_arithmetic3A_1184 : i32
        %shift_left3A_1186 = arith.constant 7 : i32
        %shift_left3A_1187 = arith.shli %shift_right_arithmetic3A_1185, %shift_left3A_1186 : i32
        %multiple_of3A_1188 = tpu.assume_multiple %shift_left3A_1187, 128 : i32
        %dma_start3A_1189 = arith.constant 6 : i32
        %dma_start3A_1190 = arith.constant 0 : i32
        %dma_start3A_1191 = arith.constant 0 : i32
        %dma_start3A_1192 = tpu.memref_slice %arg6[%dma_start3A_1189, %dma_start3A_1190, %dma_start3A_1191] : memref<8x64x128xf32, #tpu.memory_space<vmem>> -> memref<1x64x128xf32, #tpu.memory_space<vmem>>
        %dma_start3A_1193 = tpu.memref_squeeze %dma_start3A_1192 : memref<1x64x128xf32, #tpu.memory_space<vmem>> -> memref<64x128xf32, #tpu.memory_space<vmem>>
        %dma_start3A_1194 = arith.constant 0 : i32
        %dma_start3A_1195 = tpu.memref_slice %arg3[%dma_start3A_1194, %multiple_of3A_1188] : memref<64x1000000xf32, #tpu.memory_space<hbm>> -> memref<64x128xf32, #tpu.memory_space<hbm>>
        %dma_start3A_1196 = arith.constant 0 : i32
        %dma_start3A_1197 = arith.constant 0 : i32
        %dma_start3A_1198 = tpu.memref_slice %arg6[%dma_start3A_1189, %dma_start3A_1196, %dma_start3A_1197] : memref<8x64x128xf32, #tpu.memory_space<vmem>> -> memref<1x64x128xf32, #tpu.memory_space<vmem>>
        %dma_start3A_1199 = tpu.memref_squeeze %dma_start3A_1198 : memref<1x64x128xf32, #tpu.memory_space<vmem>> -> memref<64x128xf32, #tpu.memory_space<vmem>>
        %dma_start3A_1200 = arith.constant 0 : i32
        %dma_start3A_1201 = tpu.memref_slice %arg3[%dma_start3A_1200, %multiple_of3A_1188] : memref<64x1000000xf32, #tpu.memory_space<hbm>> -> memref<64x128xf32, #tpu.memory_space<hbm>>
        tpu.enqueue_dma source(%dma_start3A_1201 : memref<64x128xf32, #tpu.memory_space<hbm>>) target(%dma_start3A_1199 : memref<64x128xf32, #tpu.memory_space<vmem>>) target_semaphore(%arg14 : memref<!tpu.dma_semaphore, #tpu.memory_space<semaphore_mem>>)
      } else {
      }
      %dma_wait3A_1130 = arith.constant 7 : i32
      %dma_wait3A_1131 = arith.constant 0 : i32
      %dma_wait3A_1132 = arith.constant 0 : i32
      %dma_wait3A_1133 = tpu.memref_slice %arg6[%dma_wait3A_1130, %dma_wait3A_1131, %dma_wait3A_1132] : memref<8x64x128xf32, #tpu.memory_space<vmem>> -> memref<1x64x128xf32, #tpu.memory_space<vmem>>
      %dma_wait3A_1134 = tpu.memref_squeeze %dma_wait3A_1133 : memref<1x64x128xf32, #tpu.memory_space<vmem>> -> memref<64x128xf32, #tpu.memory_space<vmem>>
      %dma_wait3A_1135 = arith.constant 0 : i32
      %dma_wait3A_1136 = arith.constant 0 : i32
      %dma_wait3A_1137 = tpu.memref_slice %arg3[%dma_wait3A_1135, %dma_wait3A_1136] : memref<64x1000000xf32, #tpu.memory_space<hbm>> -> memref<64x128xf32, #tpu.memory_space<hbm>>
      %dma_wait3A_1138 = arith.constant 0 : i32
      %dma_wait3A_1139 = arith.constant 0 : i32
      %dma_wait3A_1140 = tpu.memref_slice %arg6[%dma_wait3A_1130, %dma_wait3A_1138, %dma_wait3A_1139] : memref<8x64x128xf32, #tpu.memory_space<vmem>> -> memref<1x64x128xf32, #tpu.memory_space<vmem>>
      %dma_wait3A_1141 = tpu.memref_squeeze %dma_wait3A_1140 : memref<1x64x128xf32, #tpu.memory_space<vmem>> -> memref<64x128xf32, #tpu.memory_space<vmem>>
      %dma_wait3A_1142 = arith.constant 0 : i32
      %dma_wait3A_1143 = arith.constant 0 : i32
      %dma_wait3A_1144 = tpu.memref_slice %arg3[%dma_wait3A_1142, %dma_wait3A_1143] : memref<64x1000000xf32, #tpu.memory_space<hbm>> -> memref<64x128xf32, #tpu.memory_space<hbm>>
      tpu.wait_dma2 semaphore(%arg15 : memref<!tpu.dma_semaphore, #tpu.memory_space<semaphore_mem>>) src(%dma_wait3A_1144 : memref<64x128xf32, #tpu.memory_space<hbm>>) dst(%dma_wait3A_1141 : memref<64x128xf32, #tpu.memory_space<vmem>>)
      %add3A_1145 = arith.constant 8 : i32
      %add3A_1146 = arith.addi %multiple_of3A_214, %add3A_1145 : i32
      %add3A_1147 = arith.constant 7 : i32
      %add3A_1148 = arith.addi %add3A_1146, %add3A_1147 : i32
      %and3A_1149 = arith.constant 127 : i32
      %and3A_1150 = arith.andi %scan3A_211, %and3A_1149 : i32
      %broadcast_in_dim3A_1151 = vector.broadcast %and3A_1150 : i32 to vector<16xi32>
      %broadcast_in_dim3A_1152 = vector.broadcast %add3A_1148 : i32 to vector<16xi32>
      %gather3A_1153 = arith.constant 7 : i32
      %gather3A_1154 = arith.constant 0 : i32
      %gather3A_1155 = arith.constant 0 : i32
      %gather3A_1156 = tpu.memref_slice %arg6[%gather3A_1153, %gather3A_1154, %gather3A_1155] : memref<8x64x128xf32, #tpu.memory_space<vmem>> -> memref<1x64x128xf32, #tpu.memory_space<vmem>>
      %gather3A_1157 = tpu.memref_squeeze %gather3A_1156 : memref<1x64x128xf32, #tpu.memory_space<vmem>> -> memref<64x128xf32, #tpu.memory_space<vmem>>
      %gather3A_1158 = tpu.vector_load_idx %gather3A_1157[%add3A_5, %broadcast_in_dim3A_1151] : memref<64x128xf32, #tpu.memory_space<vmem>>[vector<16xi32>, vector<16xi32>], vector<16xf32>,
      tpu.vector_store_idx %arg7[%add3A_5, %broadcast_in_dim3A_1152], %gather3A_1158 : memref<64x512xf32, #tpu.memory_space<vmem>>[vector<16xi32>, vector<16xi32>], vector<16xf32>,
      %gather3A_1159 = arith.constant 7 : i32
      %gather3A_1160 = arith.constant 0 : i32
      %gather3A_1161 = arith.constant 0 : i32
      %gather3A_1162 = tpu.memref_slice %arg6[%gather3A_1159, %gather3A_1160, %gather3A_1161] : memref<8x64x128xf32, #tpu.memory_space<vmem>> -> memref<1x64x128xf32, #tpu.memory_space<vmem>>
      %gather3A_1163 = tpu.memref_squeeze %gather3A_1162 : memref<1x64x128xf32, #tpu.memory_space<vmem>> -> memref<64x128xf32, #tpu.memory_space<vmem>>
      %gather3A_1164 = tpu.vector_load_idx %gather3A_1163[%add3A_9, %broadcast_in_dim3A_1151] : memref<64x128xf32, #tpu.memory_space<vmem>>[vector<16xi32>, vector<16xi32>], vector<16xf32>,
      tpu.vector_store_idx %arg7[%add3A_9, %broadcast_in_dim3A_1152], %gather3A_1164 : memref<64x512xf32, #tpu.memory_space<vmem>>[vector<16xi32>, vector<16xi32>], vector<16xf32>,
      %gather3A_1165 = arith.constant 7 : i32
      %gather3A_1166 = arith.constant 0 : i32
      %gather3A_1167 = arith.constant 0 : i32
      %gather3A_1168 = tpu.memref_slice %arg6[%gather3A_1165, %gather3A_1166, %gather3A_1167] : memref<8x64x128xf32, #tpu.memory_space<vmem>> -> memref<1x64x128xf32, #tpu.memory_space<vmem>>
      %gather3A_1169 = tpu.memref_squeeze %gather3A_1168 : memref<1x64x128xf32, #tpu.memory_space<vmem>> -> memref<64x128xf32, #tpu.memory_space<vmem>>
      %gather3A_1170 = tpu.vector_load_idx %gather3A_1169[%add3A_13, %broadcast_in_dim3A_1151] : memref<64x128xf32, #tpu.memory_space<vmem>>[vector<16xi32>, vector<16xi32>], vector<16xf32>,
      tpu.vector_store_idx %arg7[%add3A_13, %broadcast_in_dim3A_1152], %gather3A_1170 : memref<64x512xf32, #tpu.memory_space<vmem>>[vector<16xi32>, vector<16xi32>], vector<16xf32>,
      %gather3A_1171 = arith.constant 7 : i32
      %gather3A_1172 = arith.constant 0 : i32
      %gather3A_1173 = arith.constant 0 : i32
      %gather3A_1174 = tpu.memref_slice %arg6[%gather3A_1171, %gather3A_1172, %gather3A_1173] : memref<8x64x128xf32, #tpu.memory_space<vmem>> -> memref<1x64x128xf32, #tpu.memory_space<vmem>>
      %gather3A_1175 = tpu.memref_squeeze %gather3A_1174 : memref<1x64x128xf32, #tpu.memory_space<vmem>> -> memref<64x128xf32, #tpu.memory_space<vmem>>
      %gather3A_1176 = tpu.vector_load_idx %gather3A_1175[%add3A_17, %broadcast_in_dim3A_1151] : memref<64x128xf32, #tpu.memory_space<vmem>>[vector<16xi32>, vector<16xi32>], vector<16xf32>,
      tpu.vector_store_idx %arg7[%add3A_17, %broadcast_in_dim3A_1152], %gather3A_1176 : memref<64x512xf32, #tpu.memory_space<vmem>>[vector<16xi32>, vector<16xi32>], vector<16xf32>,
      %add3A_1177 = arith.constant 1 : i32
      %add3A_1178 = arith.addi %scan3A_195, %add3A_1177 : i32
      %lt3A_1179 = arith.constant 32 : i32
      %lt3A_1180 = arith.cmpi slt, %add3A_1178, %lt3A_1179 : i32
      %convert_element_type3A_1181 = arith.extui %lt3A_1180 : i1 to i32
      %cond3A_1182 = arith.constant 0 : i32
      %cond3A_1183 = arith.cmpi ne, %convert_element_type3A_1181, %cond3A_1182 : i32
      scf.if %cond3A_1183 {
        %shift_right_arithmetic3A_1184 = arith.constant 7 : i32
        %shift_right_arithmetic3A_1185 = arith.shrsi %squeeze3A_738, %shift_right_arithmetic3A_1184 : i32
        %shift_left3A_1186 = arith.constant 7 : i32
        %shift_left3A_1187 = arith.shli %shift_right_arithmetic3A_1185, %shift_left3A_1186 : i32
        %multiple_of3A_1188 = tpu.assume_multiple %shift_left3A_1187, 128 : i32
        %dma_start3A_1189 = arith.constant 7 : i32
        %dma_start3A_1190 = arith.constant 0 : i32
        %dma_start3A_1191 = arith.constant 0 : i32
        %dma_start3A_1192 = tpu.memref_slice %arg6[%dma_start3A_1189, %dma_start3A_1190, %dma_start3A_1191] : memref<8x64x128xf32, #tpu.memory_space<vmem>> -> memref<1x64x128xf32, #tpu.memory_space<vmem>>
        %dma_start3A_1193 = tpu.memref_squeeze %dma_start3A_1192 : memref<1x64x128xf32, #tpu.memory_space<vmem>> -> memref<64x128xf32, #tpu.memory_space<vmem>>
        %dma_start3A_1194 = arith.constant 0 : i32
        %dma_start3A_1195 = tpu.memref_slice %arg3[%dma_start3A_1194, %multiple_of3A_1188] : memref<64x1000000xf32, #tpu.memory_space<hbm>> -> memref<64x128xf32, #tpu.memory_space<hbm>>
        %dma_start3A_1196 = arith.constant 0 : i32
        %dma_start3A_1197 = arith.constant 0 : i32
        %dma_start3A_1198 = tpu.memref_slice %arg6[%dma_start3A_1189, %dma_start3A_1196, %dma_start3A_1197] : memref<8x64x128xf32, #tpu.memory_space<vmem>> -> memref<1x64x128xf32, #tpu.memory_space<vmem>>
        %dma_start3A_1199 = tpu.memref_squeeze %dma_start3A_1198 : memref<1x64x128xf32, #tpu.memory_space<vmem>> -> memref<64x128xf32, #tpu.memory_space<vmem>>
        %dma_start3A_1200 = arith.constant 0 : i32
        %dma_start3A_1201 = tpu.memref_slice %arg3[%dma_start3A_1200, %multiple_of3A_1188] : memref<64x1000000xf32, #tpu.memory_space<hbm>> -> memref<64x128xf32, #tpu.memory_space<hbm>>
        tpu.enqueue_dma source(%dma_start3A_1201 : memref<64x128xf32, #tpu.memory_space<hbm>>) target(%dma_start3A_1199 : memref<64x128xf32, #tpu.memory_space<vmem>>) target_semaphore(%arg15 : memref<!tpu.dma_semaphore, #tpu.memory_space<semaphore_mem>>)
      } else {
      }
      scf.yield %squeeze3A_724, %squeeze3A_726, %squeeze3A_728, %squeeze3A_730, %squeeze3A_732, %squeeze3A_734, %squeeze3A_736, %squeeze3A_738, %squeeze3A_740, %squeeze3A_742, %squeeze3A_744, %squeeze3A_746, %squeeze3A_748, %squeeze3A_750, %squeeze3A_752, %squeeze3A_754 : i32, i32, i32, i32, i32, i32, i32, i32, i32, i32, i32, i32, i32, i32, i32, i32
    }
    %scan3A_194 = arith.constant 32 : i32
    "tpu.region"() ({
      %run_scoped3A = tpu.sem_alloc : memref<!tpu.dma_semaphore, #tpu.memory_space<semaphore_mem>>
      %dma_start3A_195 = arith.constant 0 : i32
      %dma_start3A_196 = tpu.memref_slice %arg4[%dma_start3A_195, %multiple_of3A] : memref<64x16384xf32, #tpu.memory_space<hbm>> -> memref<64x512xf32, #tpu.memory_space<hbm>>
      %dma_start3A_197 = arith.constant 0 : i32
      %dma_start3A_198 = tpu.memref_slice %arg4[%dma_start3A_197, %multiple_of3A] : memref<64x16384xf32, #tpu.memory_space<hbm>> -> memref<64x512xf32, #tpu.memory_space<hbm>>
      tpu.enqueue_dma source(%arg7 : memref<64x512xf32, #tpu.memory_space<vmem>>) target(%dma_start3A_198 : memref<64x512xf32, #tpu.memory_space<hbm>>) target_semaphore(%run_scoped3A : memref<!tpu.dma_semaphore, #tpu.memory_space<semaphore_mem>>)
      %dma_wait3A = arith.constant 0 : i32
      %dma_wait3A_199 = tpu.memref_slice %arg4[%dma_wait3A, %multiple_of3A] : memref<64x16384xf32, #tpu.memory_space<hbm>> -> memref<64x512xf32, #tpu.memory_space<hbm>>
      %dma_wait3A_200 = arith.constant 0 : i32
      %dma_wait3A_201 = tpu.memref_slice %arg4[%dma_wait3A_200, %multiple_of3A] : memref<64x16384xf32, #tpu.memory_space<hbm>> -> memref<64x512xf32, #tpu.memory_space<hbm>>
      tpu.wait_dma2 semaphore(%run_scoped3A : memref<!tpu.dma_semaphore, #tpu.memory_space<semaphore_mem>>) src(%arg7 : memref<64x512xf32, #tpu.memory_space<vmem>>) dst(%dma_wait3A_201 : memref<64x512xf32, #tpu.memory_space<hbm>>)
      tpu.yield
    }) : () -> ()
    return
  }
}

module attributes {stable_mosaic.version = 14 : i64} {
  func.func @_decode_body(%arg0: i32, %arg1: memref<64x1000xf32, #tpu.memory_space<vmem>>, %arg2: memref<64x2048xf32, #tpu.memory_space<vmem>>, %arg3: memref<1000x2048xf32, #tpu.memory_space<vmem>>) attributes {dimension_semantics = [#tpu.dimension_semantics<arbitrary>], iteration_bounds = array<i64: 8>, scalar_prefetch = 0 : i64, scratch_operands = 0 : i64, tpu.core_type = #tpu.core_type<tc>, window_params = [{pipeline_mode = #tpu.pipeline_mode<synchronous>, transform_indices = @transform_0, window_bounds = array<i64: 64, 1000>}, {transform_indices = @transform_1, window_bounds = array<i64: 64, 2048>}, {transform_indices = @transform_2, window_bounds = array<i64: 1000, 2048>}]} {
    %get3A = arith.constant 0 : index
    %get3A_0 = arith.constant 0 : index
    %get3A_1 = vector.load %arg2[%get3A, %get3A_0] : memref<64x2048xf32, #tpu.memory_space<vmem>>, vector<64x2048xf32>
    %get3A_2 = arith.constant 0 : index
    %get3A_3 = arith.constant 0 : index
    %get3A_4 = vector.load %arg1[%get3A_2, %get3A_3] : memref<64x1000xf32, #tpu.memory_space<vmem>>, vector<64x1000xf32>
    %dot_general3A = arith.constant dense<0.000000e+00> : vector<2048x1000xf32>
    %dot_general3A_5 = tpu.matmul %get3A_1, %get3A_4, %dot_general3A {dimension_numbers = #tpu.dot_dimension_numbers<[0], [0], [1], [1], [0, 1, 1, 1], [], []>, transpose_lhs_hint = false} : vector<64x2048xf32>, vector<64x1000xf32>, vector<2048x1000xf32> -> vector<2048x1000xf32>
    %transpose3A = tpu.transpose %dot_general3A_5, [1, 0] : vector<2048x1000xf32> -> vector<1000x2048xf32>
    %swap3A = arith.constant 0 : index
    %swap3A_6 = arith.constant 0 : index
    %swap3A_7 = vector.load %arg3[%swap3A, %swap3A_6] : memref<1000x2048xf32, #tpu.memory_space<vmem>>, vector<1000x2048xf32>
    tpu.vector_store %arg3[%swap3A, %swap3A_6], %transpose3A {strides = array<i32>} : memref<1000x2048xf32, #tpu.memory_space<vmem>>, vector<1000x2048xf32>,
    return
  }
  func.func @transform_0(%arg0: i32) -> (i32, i32) {
    %c0_i32 = arith.constant 0 : i32
    %c0_i32_0 = arith.constant 0 : i32
    %c0_i32_1 = arith.constant 0 : i32
    return %c0_i32, %c0_i32_0 : i32, i32
  }
  func.func @transform_1(%arg0: i32) -> (i32, i32) {
    %c0_i32 = arith.constant 0 : i32
    %c0_i32_0 = arith.constant 0 : i32
    return %c0_i32, %arg0 : i32, i32
  }
  func.func @transform_2(%arg0: i32) -> (i32, i32) {
    %c0_i32 = arith.constant 0 : i32
    %c0_i32_0 = arith.constant 0 : i32
    return %c0_i32, %arg0 : i32, i32
  }
}

</mosaic_0001>

<sc_bundles>
// kernel: kernel.4.cloned.1.call-start
scs
__scs_entry_jumppad:
0x0: {  	(pc) =	sbr.rel $0x88, $3  }
0x1: {  	(tag) =	ssettag $0x0;
	lr =	simm.s32 $0x1  }
0x2: {  	[smem:$0x3F9E] =	sst lr;
	_ =	strace $0xD0000000  }
0x3: {  	_ = 	snop  }
0x4: {  	_ = 	snop  }
0x5: {  	_ = 	snop  }
0x6: {  	_ = 	snop  }
0x7: {  	_ = 	snop  }
__scs_overlays_trampoline_lowered:
0x8: {  	[smem:$0x3FAD] =	sst s0  }
0x9: {  	[smem:$0x3FAE] =	sst s1  }
0xa: {  	[smem:$0x3FAF] =	sst s2  }
0xb: {  	[smem:$0x3FB0] =	sst s3  }
0xc: {  	[smem:$0x3FB1] =	sst s4  }
0xd: {  	[smem:$0x3FB2] =	sst s5  }
0xe: {  	[smem:$0x3FB3] =	sst s6  }
0xf: {  	[smem:$0x3FB4] =	sst s7  }
0x10: {  	[smem:$0x3FB5] =	sst s8  }
0x11: {  	[smem:$0x3FB6] =	sst s9;
	s0 =	simm.s32 @!p0 $0x0  }
0x12: {  	s1 =	sld [smem:$0x3F9C];
	s0 =	simm.s32 @p0 $0x1  }
0x13: {  	[smem:$0x3FB7] =	sst s0;
	s0 =	simm.s32 @!p1 $0x0  }
0x14: {  	s2 =	sld [smem:$0x3F9B];
	s0 =	simm.s32 @p1 $0x1  }
0x15: {  	[smem:$0x3FB8] =	sst s0;
	s0 =	simm.s32 @!p2 $0x0  }
0x16: {  	s3 =	sld [smem:$0x3FDB];
	s0 =	simm.s32 @p2 $0x1  }
0x17: {  	s4 =	simm.s32 $0x1BF5;
	[smem:$0x3FBA] =	sst s0  }
0x18: {  	s0 =	sld [smem:$0x3F9D];
	_ =	swait.ge [sflag:s4], $0x0  }
0x19: {  	s7 =	sld [smem:$0x3F9E]  }
0x1a: {  	s8 =	sadd.s32 $0xFFFFE003, lr  }
0x1b: {  	s9 =	sadd.s32 $0xFFFFFEF7, lr;
	s5 =	simm.s32 $0xFFFFFFFF;
	p2 =	slt.u32 s8, $0xFFFFF086  }
0x1c: {  	p1 =	slt.u32 s9, $0xF7A;
	s5 =	simm.s32 @!p2 $0x0  }
0x1d: {  	s5 =	simm.s32 @p1 $0x1;
	p0 =	seq.s32 s7, s2  }
0x1e: {  	s7 =	smul.u32 @!p0 $0xF7A, s2;
	p2 =	seq.s32 @!p0 s5, $0x0  }
0x1f: {  	s9 =	smul.u32 $0xF7A, s1;
	s8 =	simm.s32 @!p0 $0x1BF5;
	p2 =	por !p2, p0  }
0x20: {  	[sflag:s8] =	ssyncset.s32 @!p0 $0xFFFFF086;
	s6 =	sadd.s32 @!p0 s3, s7;
	s7 =	simm.s32 @!p0 $0x108  }
0x21: {  	s3 =	sadd.s32 s3, s9;
	s6 =	sadd.s32 @!p0 $0x88, s6;
	s7 =	simm.s32 @p2 $0x1082  }
0x22: {  	[simem:s7], [sflag:s8] =	dma.local @!p0 [hbm:s6], $0xF7A  }
0x23: {  	s9 =	sor.u32 $0xD0000000, s2;
	s6 =	simm.s32 $0x108;
	_ =	swait.ge @!p0 [sflag:s8], $0x0  }
0x24: {  	s3 =	sadd.s32 $0x88, s3;
	s6 =	simm.s32 @!p1 $0x1082;
	[sflag:s4] =	ssyncset.s32 $0xFFFFF086  }
0x25: {  	[simem:s6], [sflag:s4] =	dma.local [hbm:s3], $0xF7A  }
0x26: {  	[smem:$0x3F9E] =	sst s1;
	(tag) =	ssettag s2;
	_ =	strace s9  }
0x27: {  	s1 =	sld [smem:$0x3FAE]  }
0x28: {  	s2 =	sld [smem:$0x3FAF]  }
0x29: {  	s4 =	sld [smem:$0x3FB1]  }
0x2a: {  	p0 =	seq.s32 s5, $0x0;
	s5 =	sld [smem:$0x3FB2]  }
0x2b: {  	s6 =	sld [smem:$0x3FB3]  }
0x2c: {  	s7 =	sld [smem:$0x3FB4]  }
0x2d: {  	s3 =	simm.s32 $0x108;
	s8 =	sld [smem:$0x3FB5]  }
0x2e: {  	s3 =	simm.s32 @!p0 $0x1082;
	s9 =	sld [smem:$0x3FB6]  }
0x2f: {  	lr =	sadd.s32 s0, s3;
	s0 =	sld [smem:$0x3FAD]  }
0x30: {  	s3 =	sld [smem:$0x3FB0]  }
0x31: {  	[smem:$0x3FB9] =	sst s10  }
0x32: {  	s10 =	sld [smem:$0x3FB7];
	_ =	sdelay $0x3  }
0x33: {  	p0 =	seq.s32 s10, $0x1;
	s10 =	sld [smem:$0x3FB9];
	_ =	sdelay $0x3  }
0x34: {  	[smem:$0x3FB9] =	sst s10  }
0x35: {  	s10 =	sld [smem:$0x3FB8];
	_ =	sdelay $0x3  }
0x36: {  	p1 =	seq.s32 s10, $0x1;
	s10 =	sld [smem:$0x3FB9];
	_ =	sdelay $0x3  }
0x37: {  	[smem:$0x3FB9] =	sst s10  }
0x38: {  	s10 =	sld [smem:$0x3FBA]  }
0x39: {  	_ = 	snop;
	(pc) =	sbr.ind lr, $3  }
0x3a: {  	_ = 	snop  }
0x3b: {  	_ = 	snop  }
0x3c: {  	p2 =	seq.s32 s10, $0x1;
	s10 =	sld [smem:$0x3FB9]  }
0x3d: {  	_ =	shalt  }
0x3e: {  	_ =	shalt  }
0x3f: {  	_ =	shalt  }
0x40: {  	_ =	shalt  }
0x41: {  	_ =	shalt  }
0x42: {  	_ =	shalt  }
0x43: {  	_ =	shalt  }
0x44: {  	_ =	shalt  }
0x45: {  	_ =	shalt  }
0x46: {  	_ =	shalt  }
0x47: {  	_ =	shalt  }
0x48: {  	_ =	shalt  }
0x49: {  	_ =	shalt  }
0x4a: {  	_ =	shalt  }
0x4b: {  	_ =	shalt  }
0x4c: {  	_ =	shalt  }
0x4d: {  	_ =	shalt  }
0x4e: {  	_ =	shalt  }
0x4f: {  	_ =	shalt  }
0x50: {  	_ =	shalt  }
0x51: {  	_ =	shalt  }
0x52: {  	_ =	shalt  }
0x53: {  	_ =	shalt  }
0x54: {  	_ =	shalt  }
0x55: {  	_ =	shalt  }
0x56: {  	_ =	shalt  }
0x57: {  	_ =	shalt  }
0x58: {  	_ =	shalt  }
0x59: {  	_ =	shalt  }
0x5a: {  	_ =	shalt  }
0x5b: {  	_ =	shalt  }
0x5c: {  	_ =	shalt  }
0x5d: {  	_ =	shalt  }
0x5e: {  	_ =	shalt  }
0x5f: {  	_ =	shalt  }
0x60: {  	_ =	shalt  }
0x61: {  	_ =	shalt  }
0x62: {  	_ =	shalt  }
0x63: {  	_ =	shalt  }
0x64: {  	_ =	shalt  }
0x65: {  	_ =	shalt  }
0x66: {  	_ =	shalt  }
0x67: {  	_ =	shalt  }
0x68: {  	_ =	shalt  }
0x69: {  	_ =	shalt  }
0x6a: {  	_ =	shalt  }
0x6b: {  	_ =	shalt  }
0x6c: {  	_ =	shalt  }
0x6d: {  	_ =	shalt  }
0x6e: {  	_ =	shalt  }
0x6f: {  	_ =	shalt  }
0x70: {  	_ =	shalt  }
0x71: {  	_ =	shalt  }
0x72: {  	_ =	shalt  }
0x73: {  	_ =	shalt  }
0x74: {  	_ =	shalt  }
0x75: {  	_ =	shalt  }
0x76: {  	_ =	shalt  }
0x77: {  	_ =	shalt  }
0x78: {  	_ =	shalt  }
0x79: {  	_ =	shalt  }
0x7a: {  	_ =	shalt  }
0x7b: {  	_ =	shalt  }
0x7c: {  	_ =	shalt  }
0x7d: {  	_ =	shalt  }
0x7e: {  	_ =	shalt  }
0x7f: {  	_ =	shalt  }
0x80: {  	_ =	shalt  }
0x81: {  	_ =	shalt  }
0x82: {  	_ =	shalt  }
0x83: {  	_ =	shalt  }
0x84: {  	_ =	shalt  }
0x85: {  	_ =	shalt  }
0x86: {  	_ =	shalt  }
0x87: {  	_ =	shalt  }
.Lfunc_end0:
.L_simem_size_0:
called_computation_lowered:
.L_overlay_start_0:
0x88: {  	s2 =	sld [smem:$0x3FD9]  }
0x89: {  	s3 =	sld [smem:$0x3FFE];
	_ =	sdelay $0x1  }
0x8a: {  	s1 =	srdreg.scid  }
0x8b: {  	s0 =	sand.u32 $0x1, s1  }
0x8c: {  	s18 =	sshll.u32 s0, $0xA;
	s2 =	sadd.s32 s3, s2  }
0x8d: {  	s2 =	sadd.s32 s2, s18  }
0x8e: {  	[smem:$0x3FC5] =	sst s2  }
0x8f: {  	_ = 	snop  }
0x90: {  	s2 =	sld [smem:$0x3FC9]  }
0x91: {  	s19 =	sld [smem:$0x3FC8]  }
0x92: {  	s4 =	sld [smem:$0x3FD0];
	(tm) =	ssettm $0x1  }
0x93: {  	s5 =	sld [smem:$0x3FFB];
	_ =	sdelay $0x3  }
0x94: {  	_ =	strace s5  }
0x95: {  	s5 =	sld [smem:$0x3FFC];
	_ =	sdelay $0x3  }
0x96: {  	_ =	strace s5  }
0x97: {  	s5 =	sld [smem:$0x3FFD];
	_ =	sdelay $0x3  }
0x98: {  	_ =	strace s5  }
0x99: {  	_ =	strace $0x8FFFFFFF  }
0x9a: {  	s20 =	sld [smem:$0x3FDB];
	_ =	sdelay $0x1  }
0x9b: {  	s6 =	simm.s32 $_scs_section_size  }
0x9c: {  	s7 =	simm.s32 $_size__tile_overlayer_lowered;
	s8 =	simm.s32 $_tile_overlayer_lowered  }
0x9d: {  	s23 =	simm.s32 $0x1BFF;
	s22 =	sshll.u32 s8, $0x1;
	s5 =	sadd.s32 s6, s20  }
0x9e: {  	s9 =	simm.s32 $0x0;
	s21 =	sshll.u32 s7, $0x1;
	s7 =	sadd.s32 s22, s5  }
0x9f: {  	[timem:s9], [sflag:s23] =	dma.local [hbm:s7], s21  }
0xa0: {  	_ =	swait.ge [sflag:s23], s21  }
0xa1: {  	s6 =	ssub.s32 $0x0, s21;
	[sflag:s23] =	ssyncset.done $0x0  }
0xa2: {  	[sflag:s23] =	ssyncadd.s32 s6;
	_ =	sdelay $0x1  }
0xa3: {  	s24 =	simm.s32 $0x1B8B  }
0xa4: {  	_ =	swait.ge [sflag:s24], $0x1  }
0xa5: {  	[sflag:s24] =	ssyncset.done $0x0  }
0xa6: {  	s25 =	simm.s32 $0x1B8E;
	[sflag:s24] =	ssyncadd.s32 $0xFFFFFFFF  }
0xa7: {  	s26 =	simm.s32 $execute0_lowered;
	[smem:$0x3FD2] =	sst s25  }
0xa8: {  	s6 =	sshll.u32 s26, $0x1;
	_ =	strace $0x80000046;
	[dreg:$0x1] =	wrdreg $0xFFFFFFFF  }
0xa9: {  	s28 =	simm.s32 $_size_execute0_lowered;
	s5 =	sadd.s32 s5, s6;
	[dreg:$0x0] =	wrdreg $0x0  }
0xaa: {  	s6 =	sshll.u32 s28, $0x1;
	[dreg:$0x2] =	wrdreg s5  }
0xab: {  	[dreg:$0x3] =	wrdreg s6  }
0xac: {  	[dreg:$0x4] =	wrdreg $0xC0  }
0xad: {  	_ =	task [dreg:s9], $0x5FFFF  }
0xae: {  	[dreg:$0x1] =	wrdreg $0xFFFFFFFF  }
0xaf: {  	[dreg:$0x0] =	wrdreg $0x60  }
0xb0: {  	[dreg:$0x2] =	wrdreg s2  }
0xb1: {  	[dreg:$0x3] =	wrdreg s19  }
0xb2: {  	[dreg:$0x4] =	wrdreg s4  }
0xb3: {  	[dreg:$0x5] =	wrdreg $0x9  }
0xb4: {  	_ =	task.clear_ibuf [dreg:s9], $0x6FFFF;
	_ =	strace $0x90000046  }
0xb5: {  	s29 =	simm.s32 $0x9;
	_ =	strace $0x80000048  }
0xb6: {  	_ =	swait.ge [sflag:s29], $0x1  }
0xb7: {  	[sflag:s29] =	ssyncadd.s32 $0xFFFFFFFF  }
0xb8: {  	_ =	strace $0x90000048  }
0xb9: {  	_ =	sfence  }
0xba: {  	s30 =	sld [smem:$0x0];
	_ =	sdelay $0x2  }
0xbb: {  	s31 =	sshll.u32 s1, $0xD;
	s1 =	sshrl.u32 s1, $0x2  }
0xbc: {  	s3 =	sand.u32 $0x4000, s31;
	s1 =	sadd.s32 s1, s30  }
0xbd: {  	s0 =	sor.u32 s3, s0;
	s1 =	sshll.u32 s1, $0x11  }
0xbe: {  	s0 =	sor.u32 s1, s0  }
0xbf: {  	s0 =	sadd.s32 $0x8F2B, s0  }
0xc0: {  	[sflag:s0] =	ssyncadd.remote.s32 $0x1  }
0xc1: {  	_ =	sfence.sel $0xFFFF  }
0xc2: {  	[dreg:$0x0] =	wrdreg $0xFFFFFFFF;
	(pc) =	sbr.abs _section_cstart, $3  }
0xc3: {  	[dreg:$0x1] =	wrdreg $0xFFFFFFFF  }
0xc4: {  	_ =	task.clear_ibuf [dreg:s9], $0x2FFFF;
	_ =	strace $0x9FFFFFFF  }
0xc5: {  	(tm) =	ssettm $0x7FFFFFFF  }
tec
execute0_lowered:
.L_overlay_start_1:
0x0: {  	(tag) =	ssettag $0x1  }
0x1: {  	v0 =	vimm.s32 $0x1380;
	vm14 =	vcmask $0x300;
	vm13 =	vcmask $0x704  }
0x2: {  	vm12 =	vcmask $0xB08;
	vm11 =	vcmask $0xF0C;
	vm10 =	vcmask $0x1310  }
0x3: {  	vm9 =	vcmask $0x1714;
	vm8 =	vcmask $0x1B18;
	vm7 =	vcmask $0x1F1C  }
0x4: {  	vm6 =	vcmask $0x2320;
	vm5 =	vcmask $0x2724;
	vm4 =	vcmask $0x2B28  }
0x5: {  	vm3 =	vcmask $0x2F2C;
	v1 =	vlaneseq.u32;
	vm2 =	vcmask $0x3330  }
0x6: {  	vm1 =	vcmask $0x3734;
	vm0 =	vcmask $0x3B38;
	v3 =	vimm.s32 $0x3380  }
0x7: {  	v4 =	vimm.s32 $0x5380;
	v5 =	vimm.s32 $0x7380;
	v0 =	vsel vm14, $0x0, v0  }
0x8: {  	v3 =	vsel vm14, $0x2000, v3;
	v4 =	vsel vm14, $0x4000, v4;
	v5 =	vsel vm14, $0x6000, v5  }
0x9: {  	v0 =	vsel vm13, $0x80, v0;
	v3 =	vsel vm13, $0x2080, v3;
	v4 =	vsel vm13, $0x4080, v4  }
0xa: {  	v5 =	vsel vm13, $0x6080, v5;
	v0 =	vsel vm12, $0x100, v0;
	v3 =	vsel vm12, $0x2100, v3  }
0xb: {  	v4 =	vsel vm12, $0x4100, v4;
	v5 =	vsel vm12, $0x6100, v5;
	v0 =	vsel vm11, $0x180, v0  }
0xc: {  	v3 =	vsel vm11, $0x2180, v3;
	v4 =	vsel vm11, $0x4180, v4;
	v5 =	vsel vm11, $0x6180, v5  }
0xd: {  	v0 =	vsel vm10, $0x200, v0;
	v3 =	vsel vm10, $0x2200, v3;
	v4 =	vsel vm10, $0x4200, v4  }
0xe: {  	s1 =	rddreg [dreg:$0x0];
	v5 =	vsel vm10, $0x6200, v5;
	v0 =	vsel vm9, $0x280, v0;
	v3 =	vsel vm9, $0x2280, v3  }
0xf: {  	s0 =	rddreg [dreg:$0x1];
	v4 =	vsel vm9, $0x4280, v4;
	v5 =	vsel vm9, $0x6280, v5;
	v0 =	vsel vm8, $0x300, v0  }
0x10: {  	s2 =	rddreg [dreg:$0x2];
	s3 =	srdreg.scid;
	v3 =	vsel vm8, $0x2300, v3;
	v4 =	vsel vm8, $0x4300, v4;
	v5 =	vsel vm8, $0x6300, v5  }
0x11: {  	s4 =	stileid.u32;
	s6 =	simm.s32 $0x0;
	s11 =	simm.s32 $0x7A1400;
	v0 =	vsel vm7, $0x380, v0;
	v3 =	vsel vm7, $0x2380, v3;
	v4 =	vsel vm7, $0x4380, v4  }
0x12: {  	s12 =	simm.s32 $0x400;
	s15 =	simm.s32 $0x200;
	s17 =	simm.s32 $0x6200;
	v5 =	vsel vm7, $0x6380, v5;
	v0 =	vsel vm6, $0x1000, v0;
	v3 =	vsel vm6, $0x3000, v3  }
0x13: {  	s16 =	simm.s32 $0x8200;
	s8 =	simm.s32 $0xC200;
	s14 =	simm.s32 $0xE200;
	v4 =	vsel vm6, $0x5000, v4;
	v5 =	vsel vm6, $0x7000, v5;
	v0 =	vsel vm5, $0x1080, v0  }
0x14: {  	s10 =	simm.s32 $0x1;
	s19 =	simm.s32 $0x10200;
	s13 =	simm.s32 $0x2;
	v3 =	vsel vm5, $0x3080, v3;
	v4 =	vsel vm5, $0x5080, v4;
	v5 =	vsel vm5, $0x7080, v5  }
0x15: {  	s25 =	simm.s32 $0x3;
	s28 =	simm.s32 $0x2200;
	s3 =	sand.u32 $0x1, s3;
	v0 =	vsel vm4, $0x1100, v0;
	v3 =	vsel vm4, $0x3100, v3;
	v4 =	vsel vm4, $0x5100, v4  }
0x16: {  	s4 =	sshll.u32 s4, $0xA;
	[smem:$0x7FF] =	sst s6;
	s6 =	simm.s32 $0xA200;
	v5 =	vsel vm4, $0x7100, v5;
	v2 =	vsel vm3, $0x1180, v0;
	v0 =	vmul.u32 $0x80, v1  }
0x17: {  	s5 =	sshll.u32 s3, $0x9;
	s3 =	ssub.s32 $0x2, s3;
	_ =	strace $0x80000047;
	v3 =	vsel vm3, $0x3180, v3;
	v4 =	vsel vm3, $0x5180, v4;
	v5 =	vsel vm3, $0x7180, v5  }
0x18: {  	s4 =	sor.u32 s5, s4;
	s26 =	sshrl.u32 s3, $0x1;
	s5 =	simm.s32 $0x4200;
	v1 =	vsel vm2, $0x1200, v2;
	v3 =	vsel vm2, $0x3200, v3;
	v6 =	vsel vm2, $0x5200, v4  }
0x19: {  	s29 =	sshrl.u32 s4, $0x3;
	s3 =	ssub.s32 s3, s26;
	s30 =	sadd.s32 s2, s4;
	v5 =	vsel vm2, $0x7200, v5;
	v1 =	vsel vm1, $0x1280, v1;
	v2 =	vor.u32 $0x800, v0  }
0x1a: {  	s4 =	simm.s32 $0x2200;
	s1 =	sadd.s32 s1, s29;
	[dreg:$0x5] =	wrdreg s30;
	v3 =	vsel vm1, $0x3280, v3;
	v4 =	vor.u32 $0x1000, v0;
	v6 =	vsel vm1, $0x5280, v6  }
0x1b: {  	s2 =	simm.s32 $0x0;
	s31 =	smax.u32 s3, $0x1;
	[dreg:$0x4] =	wrdreg s1;
	v7 =	vsel vm1, $0x7280, v5;
	v1 =	vsel vm0, $0x1300, v1;
	v3 =	vsel vm0, $0x3300, v3  }
0x1c: {  	s26 =	simm.s32 $0x4200;
	s3 =	simm.s32 $0x9;
	[dreg:$0x6] =	wrdreg s31;
	v5 =	vsel vm0, $0x5300, v6;
	v6 =	vor.u32 $0x1800, v0;
	v7 =	vsel vm0, $0x7300, v7  }
.LBB2_1:
0x1d: {  	[dreg:$0x7] =	wrdreg s2  }
0x1e: {  	s1 =	simm.s32 $0x0;
	s18 =	rddreg [dreg:$0x4]  }
0x1f: {  	[tilespmem:s1], [sflag:$0x9] =	stream.linear.gather [hbm4b:s18+s1], $0x200, $0x38;
	[tilespmem:$0x18200] =	vst v63  }
0x20: {  	_ =	swait.ge [sflag:s3], $0x200  }
0x21: {  	[sflag:s3] =	ssyncset.done $0x0  }
0x22: {  	[sflag:s3] =	ssyncadd.s32 $0xFFFFFE00  }
0x23: {  	v8 =	vld [tilespmem:$0x0];
	_ =	sdelay $0x4  }
0x24: {  	(v2sf) =	vpush v8, $0x0  }
0x25: {  	(v2sf) =	vpush v8, $0x1  }
0x26: {  	(v2sf) =	vpush v8, $0x2;
	_ =	sdelay $0x3  }
0x27: {  	(v2sf) =	vpush v8, $0x3;
	_ =	sdelay $0x1  }
0x28: {  	(v2sf) =	vpush v8, $0x4  }
0x29: {  	(v2sf) =	vpush v8, $0x5;
	_ =	sdelay $0x3  }
0x2a: {  	(v2sf) =	vpush v8, $0x6;
	_ =	sdelay $0x1  }
0x2b: {  	(v2sf) =	vpush v8, $0x7;
	s22 =	spop (v2sf)  }
0x2c: {  	(v2sf) =	vpush v8, $0x8;
	s20 =	sand.u32 $0xFFFFF80, s22;
	s21 =	spop (v2sf)  }
0x2d: {  	s1 =	sadd.s32 s0, s20;
	s23 =	sand.u32 $0xFFFFF80, s21;
	s18 =	spop (v2sf)  }
0x2e: {  	(v2sf) =	vpush v8, $0x9;
	[tilespmem:s15], [sflag:$0x1] =	stream.strided.gather [hbm4b:s1+s12], $0x2000, s11, s12, $0x38;
	[tilespmem:$0x18200] =	vst v63  }
0x2f: {  	(v2sf) =	vpush v8, $0xA;
	s1 =	sadd.s32 s0, s23;
	s24 =	sand.u32 $0xFFFFF80, s18  }
0x30: {  	[tilespmem:s4], [sflag:$0x2] =	stream.strided.gather [hbm4b:s1+s12], $0x2000, s11, s12, $0x38;
	[tilespmem:$0x18200] =	vst v63  }
0x31: {  	(v2sf) =	vpush v8, $0xB;
	s7 =	spop (v2sf);
	s1 =	sadd.s32 s0, s24  }
0x32: {  	(v2sf) =	vpush v8, $0xC;
	[tilespmem:s5], [sflag:$0x3] =	stream.strided.gather [hbm4b:s1+s12], $0x2000, s11, s12, $0x38;
	[tilespmem:$0x18200] =	vst v63  }
0x33: {  	s2 =	sand.u32 $0xFFFFF80, s7;
	(v2sf) =	vpush v8, $0xD;
	s5 =	spop (v2sf)  }
0x34: {  	(v2sf) =	vpush v8, $0xE;
	s1 =	sadd.s32 s0, s2;
	s3 =	spop (v2sf);
	s4 =	sand.u32 $0xFFFFF80, s5  }
0x35: {  	(v2sf) =	vpush v8, $0xF;
	[tilespmem:s17], [sflag:$0x4] =	stream.strided.gather [hbm4b:s1+s12], $0x2000, s11, s12, $0x38;
	[tilespmem:$0x18200] =	vst v63  }
0x36: {  	s1 =	sadd.s32 s0, s4;
	s4 =	sand.u32 $0xFFFFF80, s3  }
0x37: {  	[tilespmem:s16], [sflag:$0x5] =	stream.strided.gather [hbm4b:s1+s12], $0x2000, s11, s12, $0x38;
	[tilespmem:$0x18200] =	vst v63  }
0x38: {  	s29 =	spop (v2sf);
	s1 =	sadd.s32 s0, s4  }
0x39: {  	[tilespmem:s6], [sflag:$0x6] =	stream.strided.gather [hbm4b:s1+s12], $0x2000, s11, s12, $0x38;
	[tilespmem:$0x18200] =	vst v63  }
0x3a: {  	s9 =	spop (v2sf);
	s6 =	sand.u32 $0xFFFFF80, s29  }
0x3b: {  	s1 =	sadd.s32 s0, s6;
	s24 =	spop (v2sf)  }
0x3c: {  	[tilespmem:s8], [sflag:$0x7] =	stream.strided.gather [hbm4b:s1+s12], $0x2000, s11, s12, $0x38;
	[tilespmem:$0x18200] =	vst v63  }
0x3d: {  	s2 =	smov.u32 s9;
	s9 =	sand.u32 $0xFFFFF80, s9;
	s23 =	spop (v2sf)  }
0x3e: {  	s1 =	sadd.s32 s0, s9;
	s20 =	spop (v2sf)  }
0x3f: {  	[tilespmem:s14], [sflag:$0x8] =	stream.strided.gather [hbm4b:s1+s12], $0x2000, s11, s12, $0x38;
	[tilespmem:$0x18200] =	vst v63  }
0x40: {  	s4 =	spop (v2sf)  }
0x41: {  	s6 =	spop (v2sf)  }
0x42: {  	s8 =	spop (v2sf)  }
0x43: {  	s30 =	smov.u32 s3;
	s3 =	spop (v2sf)  }
0x44: {  	s31 =	simm.s32 $0x10;
	s1 =	spop (v2sf)  }
.LBB2_2:
0x45: {  	s22 =	sand.u32 $0x7F, s22  }
0x46: {  	s9 =	sadd.s32 $0xFFFFFFF0, s31;
	v8 =	vor.u32 s22, v0  }
0x47: {  	[dreg:$0x11] =	wrdreg s8;
	v9 =	vmov s9  }
0x48: {  	_ =	swait.ge [sflag:s10], $0x2000;
	v10 =	vshll.u32 v9, $0x3  }
0x49: {  	[sflag:s10] =	ssyncset.done $0x0;
	v9 =	vand.u32 $0x70, v9;
	v10 =	vand.u32 $0xC00, v10  }
0x4a: {  	[sflag:s10] =	ssyncadd.s32 $0xFFFFE000;
	v9 =	vor.u32 v9, v10  }
0x4b: {  	v10 =	vor.u32 v1, v9;
	v8 =	vld.idx.msk [tilespmem:v8+s15+$0x0], $0xffff  }
0x4c: {  	v11 =	vor.u32 s22, v2;
	_ =	sdelay $0x3  }
0x4d: {  	[tilespmem:v10+s19+$0x0] =	vst.idx.msk $0xffff, v8  }
0x4e: {  	v59 =	vor.u32 v3, v9;
	v8 =	vld.idx.msk [tilespmem:v11+s15+$0x0], $0xffff  }
0x4f: {  	v60 =	vor.u32 s22, v4;
	_ =	sdelay $0x3  }
0x50: {  	[tilespmem:v59+s19+$0x0] =	vst.idx.msk $0xffff, v8  }
0x51: {  	v61 =	vor.u32 v5, v9;
	v8 =	vld.idx.msk [tilespmem:v60+s15+$0x0], $0xffff  }
0x52: {  	v62 =	vor.u32 s22, v6;
	_ =	sdelay $0x3  }
0x53: {  	[tilespmem:v61+s19+$0x0] =	vst.idx.msk $0xffff, v8  }
0x54: {  	v9 =	vor.u32 v7, v9;
	v8 =	vld.idx.msk [tilespmem:v62+s15+$0x0], $0xffff;
	_ =	sdelay $0x3  }
0x55: {  	s21 =	sand.u32 $0x7F, s21;
	s10 =	sand.u32 $0xFFFFF80, s24  }
0x56: {  	s22 =	sadd.s32 $0xFFFFFFF1, s31;
	s8 =	sadd.s32 s0, s10;
	[tilespmem:v9+s19+$0x0] =	vst.idx.msk $0xffff, v8;
	v8 =	vor.u32 s21, v0  }
0x57: {  	v63 =	vmov s22;
	[tilespmem:s15], [sflag:$0x1] =	stream.strided.gather [hbm4b:s8+s12], $0x2000, s11, s12, $0x38;
	[tilespmem:$0x18200] =	vst v63  }
0x58: {  	v12 =	vshll.u32 v63, $0x3;
	_ =	swait.ge [sflag:s13], $0x2000  }
0x59: {  	v10 =	vand.u32 $0xC00, v12;
	v9 =	vand.u32 $0x71, v63;
	[sflag:s13] =	ssyncset.done $0x0  }
0x5a: {  	v9 =	vor.u32 v9, v10;
	[sflag:s13] =	ssyncadd.s32 $0xFFFFE000  }
0x5b: {  	v10 =	vor.u32 v1, v9;
	v8 =	vld.idx.msk [tilespmem:v8+s28+$0x0], $0xffff  }
0x5c: {  	v13 =	vor.u32 s21, v2;
	_ =	sdelay $0x3  }
0x5d: {  	[tilespmem:v10+s19+$0x0] =	vst.idx.msk $0xffff, v8  }
0x5e: {  	v14 =	vor.u32 v3, v9;
	v8 =	vld.idx.msk [tilespmem:v13+s28+$0x0], $0xffff  }
0x5f: {  	v15 =	vor.u32 s21, v4;
	_ =	sdelay $0x3  }
0x60: {  	[tilespmem:v14+s19+$0x0] =	vst.idx.msk $0xffff, v8  }
0x61: {  	v16 =	vor.u32 v5, v9;
	v8 =	vld.idx.msk [tilespmem:v15+s28+$0x0], $0xffff  }
0x62: {  	v17 =	vor.u32 s21, v6;
	_ =	sdelay $0x3  }
0x63: {  	[tilespmem:v16+s19+$0x0] =	vst.idx.msk $0xffff, v8  }
0x64: {  	v9 =	vor.u32 v7, v9;
	v8 =	vld.idx.msk [tilespmem:v17+s28+$0x0], $0xffff;
	_ =	sdelay $0x3  }
0x65: {  	s21 =	sand.u32 $0x7F, s18;
	s13 =	sand.u32 $0xFFFFF80, s23  }
0x66: {  	s22 =	sadd.s32 $0xFFFFFFF2, s31;
	s8 =	sadd.s32 s0, s13;
	[tilespmem:v9+s19+$0x0] =	vst.idx.msk $0xffff, v8;
	v8 =	vor.u32 s21, v0  }
0x67: {  	v18 =	vmov s22;
	[tilespmem:s28], [sflag:$0x2] =	stream.strided.gather [hbm4b:s8+s12], $0x2000, s11, s12, $0x38;
	[tilespmem:$0x18200] =	vst v63  }
0x68: {  	v19 =	vshll.u32 v18, $0x3;
	_ =	swait.ge [sflag:s25], $0x2000  }
0x69: {  	v10 =	vand.u32 $0xC00, v19;
	v9 =	vand.u32 $0x72, v18;
	[sflag:s25] =	ssyncset.done $0x0  }
0x6a: {  	v9 =	vor.u32 v9, v10;
	[sflag:s25] =	ssyncadd.s32 $0xFFFFE000  }
0x6b: {  	v10 =	vor.u32 v1, v9;
	v8 =	vld.idx.msk [tilespmem:v8+s26+$0x0], $0xffff  }
0x6c: {  	v20 =	vor.u32 s21, v2;
	_ =	sdelay $0x3  }
0x6d: {  	[tilespmem:v10+s19+$0x0] =	vst.idx.msk $0xffff, v8  }
0x6e: {  	v21 =	vor.u32 v3, v9;
	v8 =	vld.idx.msk [tilespmem:v20+s26+$0x0], $0xffff  }
0x6f: {  	v22 =	vor.u32 s21, v4;
	_ =	sdelay $0x3  }
0x70: {  	[tilespmem:v21+s19+$0x0] =	vst.idx.msk $0xffff, v8  }
0x71: {  	v23 =	vor.u32 v5, v9;
	v8 =	vld.idx.msk [tilespmem:v22+s26+$0x0], $0xffff  }
0x72: {  	v24 =	vor.u32 s21, v6;
	_ =	sdelay $0x3  }
0x73: {  	[tilespmem:v23+s19+$0x0] =	vst.idx.msk $0xffff, v8  }
0x74: {  	v9 =	vor.u32 v7, v9;
	v8 =	vld.idx.msk [tilespmem:v24+s26+$0x0], $0xffff;
	_ =	sdelay $0x3  }
0x75: {  	s7 =	sand.u32 $0x7F, s7;
	s10 =	sand.u32 $0xFFFFF80, s20  }
0x76: {  	s9 =	simm.s32 $0x4;
	s13 =	sadd.s32 $0xFFFFFFF3, s31;
	s8 =	sadd.s32 s0, s10;
	[tilespmem:v9+s19+$0x0] =	vst.idx.msk $0xffff, v8;
	v8 =	vor.u32 s7, v0  }
0x77: {  	v25 =	vmov s13;
	[tilespmem:s26], [sflag:$0x3] =	stream.strided.gather [hbm4b:s8+s12], $0x2000, s11, s12, $0x38;
	[tilespmem:$0x18200] =	vst v63  }
0x78: {  	v26 =	vshll.u32 v25, $0x3;
	_ =	swait.ge [sflag:s9], $0x2000  }
0x79: {  	v10 =	vand.u32 $0xC00, v26;
	v9 =	vand.u32 $0x73, v25;
	[sflag:s9] =	ssyncset.done $0x0  }
0x7a: {  	v9 =	vor.u32 v9, v10;
	[sflag:s9] =	ssyncadd.s32 $0xFFFFE000  }
0x7b: {  	v10 =	vor.u32 v1, v9;
	v8 =	vld.idx.msk [tilespmem:v8+s17+$0x0], $0xffff  }
0x7c: {  	v27 =	vor.u32 s7, v2;
	_ =	sdelay $0x3  }
0x7d: {  	[tilespmem:v10+s19+$0x0] =	vst.idx.msk $0xffff, v8  }
0x7e: {  	v28 =	vor.u32 v3, v9;
	v8 =	vld.idx.msk [tilespmem:v27+s17+$0x0], $0xffff  }
0x7f: {  	v29 =	vor.u32 s7, v4;
	_ =	sdelay $0x3  }
0x80: {  	[tilespmem:v28+s19+$0x0] =	vst.idx.msk $0xffff, v8  }
0x81: {  	v30 =	vor.u32 v5, v9;
	v8 =	vld.idx.msk [tilespmem:v29+s17+$0x0], $0xffff  }
0x82: {  	v31 =	vor.u32 s7, v6;
	_ =	sdelay $0x3  }
0x83: {  	[tilespmem:v30+s19+$0x0] =	vst.idx.msk $0xffff, v8  }
0x84: {  	v9 =	vor.u32 v7, v9;
	v8 =	vld.idx.msk [tilespmem:v31+s17+$0x0], $0xffff;
	_ =	sdelay $0x3  }
0x85: {  	s5 =	sand.u32 $0x7F, s5;
	s18 =	sand.u32 $0xFFFFF80, s4  }
0x86: {  	s21 =	sadd.s32 $0xFFFFFFF4, s31;
	s10 =	simm.s32 $0x5;
	s7 =	sadd.s32 s0, s18;
	[tilespmem:v9+s19+$0x0] =	vst.idx.msk $0xffff, v8;
	v8 =	vor.u32 s5, v0  }
0x87: {  	v32 =	vmov s21;
	[tilespmem:s17], [sflag:$0x4] =	stream.strided.gather [hbm4b:s7+s12], $0x2000, s11, s12, $0x38;
	[tilespmem:$0x18200] =	vst v63  }
0x88: {  	v33 =	vshll.u32 v32, $0x3;
	_ =	swait.ge [sflag:s10], $0x2000  }
0x89: {  	v10 =	vand.u32 $0xC00, v33;
	v9 =	vand.u32 $0x74, v32;
	[sflag:s10] =	ssyncset.done $0x0  }
0x8a: {  	v9 =	vor.u32 v9, v10;
	[sflag:s10] =	ssyncadd.s32 $0xFFFFE000  }
0x8b: {  	v10 =	vor.u32 v1, v9;
	v8 =	vld.idx.msk [tilespmem:v8+s16+$0x0], $0xffff  }
0x8c: {  	v34 =	vor.u32 s5, v2;
	_ =	sdelay $0x3  }
0x8d: {  	[tilespmem:v10+s19+$0x0] =	vst.idx.msk $0xffff, v8  }
0x8e: {  	v35 =	vor.u32 v3, v9;
	v8 =	vld.idx.msk [tilespmem:v34+s16+$0x0], $0xffff  }
0x8f: {  	v36 =	vor.u32 s5, v4;
	_ =	sdelay $0x3  }
0x90: {  	[tilespmem:v35+s19+$0x0] =	vst.idx.msk $0xffff, v8  }
0x91: {  	v37 =	vor.u32 v5, v9;
	v8 =	vld.idx.msk [tilespmem:v36+s16+$0x0], $0xffff  }
0x92: {  	v38 =	vor.u32 s5, v6;
	_ =	sdelay $0x3  }
0x93: {  	[tilespmem:v37+s19+$0x0] =	vst.idx.msk $0xffff, v8  }
0x94: {  	v9 =	vor.u32 v7, v9;
	v8 =	vld.idx.msk [tilespmem:v38+s16+$0x0], $0xffff;
	_ =	sdelay $0x3  }
0x95: {  	s22 =	sand.u32 $0xFFFFF80, s6;
	s25 =	sand.u32 $0x7F, s30  }
0x96: {  	s13 =	sadd.s32 $0xFFFFFFF5, s31;
	s8 =	simm.s32 $0x6;
	s5 =	sadd.s32 s0, s22;
	[tilespmem:v9+s19+$0x0] =	vst.idx.msk $0xffff, v8;
	v8 =	vor.u32 s25, v0  }
0x97: {  	v39 =	vmov s13;
	[tilespmem:s16], [sflag:$0x5] =	stream.strided.gather [hbm4b:s5+s12], $0x2000, s11, s12, $0x38;
	[tilespmem:$0x18200] =	vst v63  }
0x98: {  	v40 =	vshll.u32 v39, $0x3;
	_ =	swait.ge [sflag:s8], $0x2000  }
0x99: {  	v10 =	vand.u32 $0xC00, v40;
	v9 =	vand.u32 $0x75, v39;
	[sflag:s8] =	ssyncset.done $0x0  }
0x9a: {  	s13 =	smov.u32 s1;
	s1 =	simm.s32 $0xA200;
	v9 =	vor.u32 v9, v10;
	[sflag:s8] =	ssyncadd.s32 $0xFFFFE000  }
0x9b: {  	v10 =	vor.u32 v1, v9;
	v8 =	vld.idx.msk [tilespmem:v8+s1+$0x0], $0xffff  }
0x9c: {  	v41 =	vor.u32 s25, v2;
	_ =	sdelay $0x3  }
0x9d: {  	[tilespmem:v10+s19+$0x0] =	vst.idx.msk $0xffff, v8  }
0x9e: {  	v42 =	vor.u32 v3, v9;
	v8 =	vld.idx.msk [tilespmem:v41+s1+$0x0], $0xffff  }
0x9f: {  	v43 =	vor.u32 s25, v4;
	_ =	sdelay $0x3  }
0xa0: {  	[tilespmem:v42+s19+$0x0] =	vst.idx.msk $0xffff, v8  }
0xa1: {  	v44 =	vor.u32 v5, v9;
	v8 =	vld.idx.msk [tilespmem:v43+s1+$0x0], $0xffff  }
0xa2: {  	v45 =	vor.u32 s25, v6;
	_ =	sdelay $0x3  }
0xa3: {  	[tilespmem:v44+s19+$0x0] =	vst.idx.msk $0xffff, v8  }
0xa4: {  	v9 =	vor.u32 v7, v9;
	v8 =	vld.idx.msk [tilespmem:v45+s1+$0x0], $0xffff;
	_ =	sdelay $0x2  }
0xa5: {  	s21 =	sand.u32 $0x7F, s29;
	s18 =	smov.u32 s3;
	s30 =	rddreg [dreg:$0x11]  }
0xa6: {  	s22 =	sadd.s32 $0xFFFFFFF6, s31;
	[dreg:$0xf] =	wrdreg s13;
	s17 =	sand.u32 $0xFFFFF80, s30  }
0xa7: {  	s25 =	simm.s32 $0x7;
	[dreg:$0x10] =	wrdreg s18;
	s5 =	sadd.s32 s0, s17;
	[tilespmem:v9+s19+$0x0] =	vst.idx.msk $0xffff, v8;
	v8 =	vor.u32 s21, v0  }
0xa8: {  	v46 =	vmov s22;
	[tilespmem:s1], [sflag:$0x6] =	stream.strided.gather [hbm4b:s5+s12], $0x2000, s11, s12, $0x38;
	[tilespmem:$0x18200] =	vst v63  }
0xa9: {  	v47 =	vshll.u32 v46, $0x3;
	_ =	swait.ge [sflag:s25], $0x2000  }
0xaa: {  	v10 =	vand.u32 $0xC00, v47;
	v9 =	vand.u32 $0x76, v46;
	[sflag:s25] =	ssyncset.done $0x0  }
0xab: {  	s29 =	simm.s32 $0xC200;
	v9 =	vor.u32 v9, v10;
	[sflag:s25] =	ssyncadd.s32 $0xFFFFE000  }
0xac: {  	v10 =	vor.u32 v1, v9;
	v8 =	vld.idx.msk [tilespmem:v8+s29+$0x0], $0xffff  }
0xad: {  	v48 =	vor.u32 s21, v2;
	_ =	sdelay $0x3  }
0xae: {  	[tilespmem:v10+s19+$0x0] =	vst.idx.msk $0xffff, v8  }
0xaf: {  	v49 =	vor.u32 v3, v9;
	v8 =	vld.idx.msk [tilespmem:v48+s29+$0x0], $0xffff  }
0xb0: {  	v50 =	vor.u32 s21, v4;
	_ =	sdelay $0x3  }
0xb1: {  	[tilespmem:v49+s19+$0x0] =	vst.idx.msk $0xffff, v8  }
0xb2: {  	v51 =	vor.u32 v5, v9;
	v8 =	vld.idx.msk [tilespmem:v50+s29+$0x0], $0xffff  }
0xb3: {  	v52 =	vor.u32 s21, v6;
	_ =	sdelay $0x3  }
0xb4: {  	[tilespmem:v51+s19+$0x0] =	vst.idx.msk $0xffff, v8  }
0xb5: {  	v9 =	vor.u32 v7, v9;
	v8 =	vld.idx.msk [tilespmem:v52+s29+$0x0], $0xffff;
	_ =	sdelay $0x3  }
0xb6: {  	s5 =	sand.u32 $0xFFFFF80, s18  }
0xb7: {  	s2 =	sand.u32 $0x7F, s2;
	s7 =	sadd.s32 $0xFFFFFFF7, s31;
	s3 =	sadd.s32 s0, s5;
	[tilespmem:v9+s19+$0x0] =	vst.idx.msk $0xffff, v8  }
0xb8: {  	v8 =	vor.u32 s2, v0;
	[tilespmem:s29], [sflag:$0x7] =	stream.strided.gather [hbm4b:s3+s12], $0x2000, s11, s12, $0x38;
	[tilespmem:$0x18200] =	vst v63  }
0xb9: {  	v53 =	vmov s7;
	s3 =	simm.s32 $0x8  }
0xba: {  	v54 =	vshll.u32 v53, $0x3;
	_ =	swait.ge [sflag:s3], $0x2000  }
0xbb: {  	v10 =	vand.u32 $0xC00, v54;
	v9 =	vand.u32 $0x77, v53;
	[sflag:s3] =	ssyncset.done $0x0  }
0xbc: {  	v9 =	vor.u32 v9, v10;
	[sflag:s3] =	ssyncadd.s32 $0xFFFFE000  }
0xbd: {  	v10 =	vor.u32 v1, v9;
	v8 =	vld.idx.msk [tilespmem:v8+s14+$0x0], $0xffff  }
0xbe: {  	v55 =	vor.u32 s2, v2;
	_ =	sdelay $0x3  }
0xbf: {  	[tilespmem:v10+s19+$0x0] =	vst.idx.msk $0xffff, v8  }
0xc0: {  	v56 =	vor.u32 v3, v9;
	v8 =	vld.idx.msk [tilespmem:v55+s14+$0x0], $0xffff  }
0xc1: {  	v57 =	vor.u32 s2, v4;
	_ =	sdelay $0x3  }
0xc2: {  	[tilespmem:v56+s19+$0x0] =	vst.idx.msk $0xffff, v8  }
0xc3: {  	v58 =	vor.u32 v5, v9;
	v8 =	vld.idx.msk [tilespmem:v57+s14+$0x0], $0xffff  }
0xc4: {  	v59 =	vor.u32 s2, v6;
	_ =	sdelay $0x3  }
0xc5: {  	[tilespmem:v58+s19+$0x0] =	vst.idx.msk $0xffff, v8  }
0xc6: {  	v9 =	vor.u32 v7, v9;
	v8 =	vld.idx.msk [tilespmem:v59+s14+$0x0], $0xffff;
	_ =	sdelay $0x3  }
0xc7: {  	s13 =	sand.u32 $0xFFFFF80, s13  }
0xc8: {  	s2 =	sadd.s32 s0, s13;
	[tilespmem:v9+s19+$0x0] =	vst.idx.msk $0xffff, v8  }
0xc9: {  	[tilespmem:s14], [sflag:$0x8] =	stream.strided.gather [hbm4b:s2+s12], $0x2000, s11, s12, $0x38;
	[tilespmem:$0x18200] =	vst v63  }
0xca: {  	s14 =	smin.u32 s31, $0x1F0  }
0xcb: {  	v8 =	vld [tilespmem:s14+$0x0];
	_ =	sdelay $0x4  }
0xcc: {  	(v2sf) =	vpush v8, $0x0  }
0xcd: {  	(v2sf) =	vpush v8, $0x1  }
0xce: {  	(v2sf) =	vpush v8, $0x2  }
0xcf: {  	(v2sf) =	vpush v8, $0x3  }
0xd0: {  	(v2sf) =	vpush v8, $0x4  }
0xd1: {  	(v2sf) =	vpush v8, $0x5  }
0xd2: {  	(v2sf) =	vpush v8, $0x6  }
0xd3: {  	(v2sf) =	vpush v8, $0x7  }
0xd4: {  	(v2sf) =	vpush v8, $0x8  }
0xd5: {  	(v2sf) =	vpush v8, $0x9  }
0xd6: {  	(v2sf) =	vpush v8, $0xA  }
0xd7: {  	(v2sf) =	vpush v8, $0xB  }
0xd8: {  	(v2sf) =	vpush v8, $0xC  }
0xd9: {  	(v2sf) =	vpush v8, $0xD  }
0xda: {  	(v2sf) =	vpush v8, $0xE  }
0xdb: {  	s22 =	spop (v2sf);
	(v2sf) =	vpush v8, $0xF  }
0xdc: {  	s21 =	spop (v2sf)  }
0xdd: {  	s18 =	spop (v2sf)  }
0xde: {  	s7 =	spop (v2sf)  }
0xdf: {  	s5 =	spop (v2sf)  }
0xe0: {  	s2 =	spop (v2sf)  }
0xe1: {  	s12 =	spop (v2sf)  }
0xe2: {  	s11 =	spop (v2sf)  }
0xe3: {  	s16 =	spop (v2sf)  }
0xe4: {  	[dreg:$0x8] =	wrdreg s16;
	s17 =	spop (v2sf)  }
0xe5: {  	[dreg:$0x9] =	wrdreg s17;
	s25 =	spop (v2sf)  }
0xe6: {  	[dreg:$0xa] =	wrdreg s25;
	s14 =	spop (v2sf)  }
0xe7: {  	[dreg:$0xb] =	wrdreg s14;
	s16 =	spop (v2sf)  }
0xe8: {  	s13 =	sand.u32 $0x7F, s24;
	[dreg:$0xc] =	wrdreg s16;
	s17 =	spop (v2sf)  }
0xe9: {  	v8 =	vor.u32 s13, v0;
	s16 =	sadd.s32 $0xFFFFFFF8, s31;
	[dreg:$0xd] =	wrdreg s17;
	s24 =	spop (v2sf)  }
0xea: {  	v60 =	vmov s16;
	s17 =	simm.s32 $0x1;
	[dreg:$0xe] =	wrdreg s24;
	s24 =	spop (v2sf)  }
0xeb: {  	s16 =	simm.s32 $0x1;
	v61 =	vshll.u32 v60, $0x3;
	_ =	swait.ge [sflag:s17], $0x2000  }
0xec: {  	v9 =	vand.u32 $0x78, v60;
	v10 =	vand.u32 $0xC00, v61;
	s17 =	simm.s32 $0x1;
	[sflag:s16] =	ssyncset.done $0x0  }
0xed: {  	v9 =	vor.u32 v9, v10;
	[sflag:s17] =	ssyncadd.s32 $0xFFFFE000  }
0xee: {  	v10 =	vor.u32 v1, v9;
	v8 =	vld.idx.msk [tilespmem:v8+s15+$0x0], $0xffff  }
0xef: {  	v62 =	vor.u32 s13, v2;
	_ =	sdelay $0x3  }
0xf0: {  	[tilespmem:v10+s19+$0x0] =	vst.idx.msk $0xffff, v8  }
0xf1: {  	v63 =	vor.u32 v3, v9;
	v8 =	vld.idx.msk [tilespmem:v62+s15+$0x0], $0xffff  }
0xf2: {  	v12 =	vor.u32 s13, v4;
	_ =	sdelay $0x3  }
0xf3: {  	[tilespmem:v63+s19+$0x0] =	vst.idx.msk $0xffff, v8  }
0xf4: {  	v13 =	vor.u32 v5, v9;
	v8 =	vld.idx.msk [tilespmem:v12+s15+$0x0], $0xffff  }
0xf5: {  	v14 =	vor.u32 s13, v6;
	_ =	sdelay $0x3  }
0xf6: {  	[tilespmem:v13+s19+$0x0] =	vst.idx.msk $0xffff, v8  }
0xf7: {  	v9 =	vor.u32 v7, v9;
	v8 =	vld.idx.msk [tilespmem:v14+s15+$0x0], $0xffff;
	_ =	sdelay $0x1  }
0xf8: {  	p0 =	seq.s32 s31, $0x200  }
0xf9: {  	s13 =	sand.u32 @!p0 $0xFFFFF80, s22;
	s25 =	simm.s32 $0x2  }
0xfa: {  	s14 =	sadd.s32 @!p0 s0, s13;
	s13 =	simm.s32 @!p0 $0x400;
	s15 =	sand.u32 $0x7F, s23  }
0xfb: {  	s16 =	simm.s32 @!p0 $0x200;
	s17 =	sadd.s32 $0xFFFFFFF9, s31;
	s23 =	simm.s32 @!p0 $0x7A1400;
	[tilespmem:v9+s19+$0x0] =	vst.idx.msk $0xffff, v8;
	v8 =	vor.u32 s15, v0  }
0xfc: {  	v15 =	vmov s17;
	[tilespmem:s16], [sflag:$0x1] =	stream.strided.gather @!p0 [hbm4b:s14+s13], $0x2000, s23, s13, $0x38;
	[tilespmem:$0x18200] =	vst v63  }
0xfd: {  	v16 =	vshll.u32 v15, $0x3;
	_ =	swait.ge [sflag:s25], $0x2000  }
0xfe: {  	v10 =	vand.u32 $0xC00, v16;
	v9 =	vand.u32 $0x79, v15;
	[sflag:s25] =	ssyncset.done $0x0  }
0xff: {  	v9 =	vor.u32 v9, v10;
	[sflag:s25] =	ssyncadd.s32 $0xFFFFE000  }
0x100: {  	v10 =	vor.u32 v1, v9;
	v8 =	vld.idx.msk [tilespmem:v8+s28+$0x0], $0xffff  }
0x101: {  	v17 =	vor.u32 s15, v2;
	_ =	sdelay $0x3  }
0x102: {  	[tilespmem:v10+s19+$0x0] =	vst.idx.msk $0xffff, v8  }
0x103: {  	v18 =	vor.u32 v3, v9;
	v8 =	vld.idx.msk [tilespmem:v17+s28+$0x0], $0xffff  }
0x104: {  	v19 =	vor.u32 s15, v4;
	_ =	sdelay $0x3  }
0x105: {  	[tilespmem:v18+s19+$0x0] =	vst.idx.msk $0xffff, v8  }
0x106: {  	v20 =	vor.u32 v5, v9;
	v8 =	vld.idx.msk [tilespmem:v19+s28+$0x0], $0xffff  }
0x107: {  	v21 =	vor.u32 s15, v6;
	_ =	sdelay $0x3  }
0x108: {  	[tilespmem:v20+s19+$0x0] =	vst.idx.msk $0xffff, v8  }
0x109: {  	v9 =	vor.u32 v7, v9;
	v8 =	vld.idx.msk [tilespmem:v21+s28+$0x0], $0xffff;
	_ =	sdelay $0x3  }
0x10a: {  	s15 =	sand.u32 $0x7F, s20;
	s20 =	sadd.s32 $0xFFFFFFFA, s31;
	s14 =	sand.u32 @!p0 $0xFFFFF80, s21  }
0x10b: {  	s16 =	simm.s32 @!p0 $0x2200;
	s14 =	sadd.s32 @!p0 s0, s14;
	s25 =	simm.s32 $0x3;
	[tilespmem:v9+s19+$0x0] =	vst.idx.msk $0xffff, v8;
	v8 =	vor.u32 s15, v0  }
0x10c: {  	v22 =	vmov s20;
	[tilespmem:s16], [sflag:$0x2] =	stream.strided.gather @!p0 [hbm4b:s14+s13], $0x2000, s23, s13, $0x38;
	[tilespmem:$0x18200] =	vst v63  }
0x10d: {  	v23 =	vshll.u32 v22, $0x3;
	_ =	swait.ge [sflag:s25], $0x2000  }
0x10e: {  	v10 =	vand.u32 $0xC00, v23;
	v9 =	vand.u32 $0x7A, v22;
	[sflag:s25] =	ssyncset.done $0x0  }
0x10f: {  	v9 =	vor.u32 v9, v10;
	[sflag:s25] =	ssyncadd.s32 $0xFFFFE000  }
0x110: {  	v10 =	vor.u32 v1, v9;
	v8 =	vld.idx.msk [tilespmem:v8+s26+$0x0], $0xffff  }
0x111: {  	v24 =	vor.u32 s15, v2;
	_ =	sdelay $0x3  }
0x112: {  	[tilespmem:v10+s19+$0x0] =	vst.idx.msk $0xffff, v8  }
0x113: {  	v25 =	vor.u32 v3, v9;
	v8 =	vld.idx.msk [tilespmem:v24+s26+$0x0], $0xffff  }
0x114: {  	v26 =	vor.u32 s15, v4;
	_ =	sdelay $0x3  }
0x115: {  	[tilespmem:v25+s19+$0x0] =	vst.idx.msk $0xffff, v8  }
0x116: {  	v27 =	vor.u32 v5, v9;
	v8 =	vld.idx.msk [tilespmem:v26+s26+$0x0], $0xffff  }
0x117: {  	v28 =	vor.u32 s15, v6;
	_ =	sdelay $0x3  }
0x118: {  	[tilespmem:v27+s19+$0x0] =	vst.idx.msk $0xffff, v8  }
0x119: {  	v9 =	vor.u32 v7, v9;
	v8 =	vld.idx.msk [tilespmem:v28+s26+$0x0], $0xffff;
	_ =	sdelay $0x3  }
0x11a: {  	s20 =	sand.u32 $0x7F, s4;
	s14 =	sand.u32 @!p0 $0xFFFFF80, s18  }
0x11b: {  	s4 =	sadd.s32 $0xFFFFFFFB, s31;
	s16 =	simm.s32 @!p0 $0x4200;
	s14 =	sadd.s32 @!p0 s0, s14;
	[tilespmem:v9+s19+$0x0] =	vst.idx.msk $0xffff, v8;
	v8 =	vor.u32 s20, v0  }
0x11c: {  	v29 =	vmov s4;
	[tilespmem:s16], [sflag:$0x3] =	stream.strided.gather @!p0 [hbm4b:s14+s13], $0x2000, s23, s13, $0x38;
	[tilespmem:$0x18200] =	vst v63  }
0x11d: {  	v30 =	vshll.u32 v29, $0x3;
	_ =	swait.ge [sflag:s9], $0x2000  }
0x11e: {  	v10 =	vand.u32 $0xC00, v30;
	v9 =	vand.u32 $0x7B, v29;
	[sflag:s9] =	ssyncset.done $0x0  }
0x11f: {  	s17 =	simm.s32 $0x6200;
	v9 =	vor.u32 v9, v10;
	[sflag:s9] =	ssyncadd.s32 $0xFFFFE000  }
0x120: {  	v10 =	vor.u32 v1, v9;
	v8 =	vld.idx.msk [tilespmem:v8+s17+$0x0], $0xffff  }
0x121: {  	v31 =	vor.u32 s20, v2;
	_ =	sdelay $0x3  }
0x122: {  	[tilespmem:v10+s19+$0x0] =	vst.idx.msk $0xffff, v8  }
0x123: {  	v32 =	vor.u32 v3, v9;
	v8 =	vld.idx.msk [tilespmem:v31+s17+$0x0], $0xffff  }
0x124: {  	v33 =	vor.u32 s20, v4;
	_ =	sdelay $0x3  }
0x125: {  	[tilespmem:v32+s19+$0x0] =	vst.idx.msk $0xffff, v8  }
0x126: {  	v34 =	vor.u32 v5, v9;
	v8 =	vld.idx.msk [tilespmem:v33+s17+$0x0], $0xffff  }
0x127: {  	v35 =	vor.u32 s20, v6;
	_ =	sdelay $0x3  }
0x128: {  	[tilespmem:v34+s19+$0x0] =	vst.idx.msk $0xffff, v8  }
0x129: {  	v9 =	vor.u32 v7, v9;
	v8 =	vld.idx.msk [tilespmem:v35+s17+$0x0], $0xffff;
	_ =	sdelay $0x3  }
0x12a: {  	s20 =	sand.u32 $0x7F, s6;
	s14 =	sand.u32 @!p0 $0xFFFFF80, s7  }
0x12b: {  	s4 =	sadd.s32 $0xFFFFFFFC, s31;
	s15 =	simm.s32 @!p0 $0x6200;
	s14 =	sadd.s32 @!p0 s0, s14;
	[tilespmem:v9+s19+$0x0] =	vst.idx.msk $0xffff, v8;
	v8 =	vor.u32 s20, v0  }
0x12c: {  	v36 =	vmov s4;
	[tilespmem:s15], [sflag:$0x4] =	stream.strided.gather @!p0 [hbm4b:s14+s13], $0x2000, s23, s13, $0x38;
	[tilespmem:$0x18200] =	vst v63  }
0x12d: {  	v37 =	vshll.u32 v36, $0x3;
	_ =	swait.ge [sflag:s10], $0x2000  }
0x12e: {  	v10 =	vand.u32 $0xC00, v37;
	v9 =	vand.u32 $0x7C, v36;
	[sflag:s10] =	ssyncset.done $0x0  }
0x12f: {  	s16 =	simm.s32 $0x8200;
	v9 =	vor.u32 v9, v10;
	[sflag:s10] =	ssyncadd.s32 $0xFFFFE000  }
0x130: {  	v10 =	vor.u32 v1, v9;
	v8 =	vld.idx.msk [tilespmem:v8+s16+$0x0], $0xffff  }
0x131: {  	v38 =	vor.u32 s20, v2;
	_ =	sdelay $0x3  }
0x132: {  	[tilespmem:v10+s19+$0x0] =	vst.idx.msk $0xffff, v8  }
0x133: {  	v39 =	vor.u32 v3, v9;
	v8 =	vld.idx.msk [tilespmem:v38+s16+$0x0], $0xffff  }
0x134: {  	v40 =	vor.u32 s20, v4;
	_ =	sdelay $0x3  }
0x135: {  	[tilespmem:v39+s19+$0x0] =	vst.idx.msk $0xffff, v8  }
0x136: {  	v41 =	vor.u32 v5, v9;
	v8 =	vld.idx.msk [tilespmem:v40+s16+$0x0], $0xffff  }
0x137: {  	v42 =	vor.u32 s20, v6;
	_ =	sdelay $0x3  }
0x138: {  	[tilespmem:v41+s19+$0x0] =	vst.idx.msk $0xffff, v8  }
0x139: {  	v9 =	vor.u32 v7, v9;
	v8 =	vld.idx.msk [tilespmem:v42+s16+$0x0], $0xffff;
	_ =	sdelay $0x3  }
0x13a: {  	s6 =	sand.u32 @!p0 $0xFFFFF80, s5;
	s9 =	sand.u32 $0x7F, s30  }
0x13b: {  	s6 =	sadd.s32 @!p0 s0, s6;
	s14 =	simm.s32 @!p0 $0x8200;
	s10 =	sadd.s32 $0xFFFFFFFD, s31;
	[tilespmem:v9+s19+$0x0] =	vst.idx.msk $0xffff, v8;
	v8 =	vor.u32 s9, v0  }
0x13c: {  	v43 =	vmov s10;
	[tilespmem:s14], [sflag:$0x5] =	stream.strided.gather @!p0 [hbm4b:s6+s13], $0x2000, s23, s13, $0x38;
	[tilespmem:$0x18200] =	vst v63  }
0x13d: {  	v44 =	vshll.u32 v43, $0x3;
	_ =	swait.ge [sflag:s8], $0x2000  }
0x13e: {  	v10 =	vand.u32 $0xC00, v44;
	v9 =	vand.u32 $0x7D, v43;
	[sflag:s8] =	ssyncset.done $0x0  }
0x13f: {  	v9 =	vor.u32 v9, v10;
	[sflag:s8] =	ssyncadd.s32 $0xFFFFE000  }
0x140: {  	v10 =	vor.u32 v1, v9;
	v8 =	vld.idx.msk [tilespmem:v8+s1+$0x0], $0xffff  }
0x141: {  	v45 =	vor.u32 s9, v2;
	_ =	sdelay $0x3  }
0x142: {  	[tilespmem:v10+s19+$0x0] =	vst.idx.msk $0xffff, v8  }
0x143: {  	v46 =	vor.u32 v3, v9;
	v8 =	vld.idx.msk [tilespmem:v45+s1+$0x0], $0xffff  }
0x144: {  	v47 =	vor.u32 s9, v4;
	_ =	sdelay $0x3  }
0x145: {  	[tilespmem:v46+s19+$0x0] =	vst.idx.msk $0xffff, v8  }
0x146: {  	v48 =	vor.u32 v5, v9;
	v8 =	vld.idx.msk [tilespmem:v47+s1+$0x0], $0xffff  }
0x147: {  	v49 =	vor.u32 s9, v6;
	_ =	sdelay $0x3  }
0x148: {  	[tilespmem:v48+s19+$0x0] =	vst.idx.msk $0xffff, v8  }
0x149: {  	v9 =	vor.u32 v7, v9;
	v8 =	vld.idx.msk [tilespmem:v49+s1+$0x0], $0xffff;
	_ =	sdelay $0x2  }
0x14a: {  	s4 =	sand.u32 @!p0 $0xFFFFF80, s2;
	s20 =	rddreg [dreg:$0x10]  }
0x14b: {  	s4 =	sadd.s32 @!p0 s0, s4;
	s30 =	smov.u32 s2;
	s2 =	sand.u32 $0x7F, s20  }
0x14c: {  	s9 =	simm.s32 $0x7;
	s14 =	simm.s32 @!p0 $0xA200;
	s8 =	sadd.s32 $0xFFFFFFFE, s31;
	[tilespmem:v9+s19+$0x0] =	vst.idx.msk $0xffff, v8;
	v8 =	vor.u32 s2, v0  }
0x14d: {  	v50 =	vmov s8;
	[tilespmem:s14], [sflag:$0x6] =	stream.strided.gather @!p0 [hbm4b:s4+s13], $0x2000, s23, s13, $0x38;
	[tilespmem:$0x18200] =	vst v63  }
0x14e: {  	v51 =	vshll.u32 v50, $0x3;
	_ =	swait.ge [sflag:s9], $0x2000  }
0x14f: {  	s10 =	simm.s32 $0x7;
	v10 =	vand.u32 $0xC00, v51;
	v9 =	vand.u32 $0x7E, v50;
	[sflag:s9] =	ssyncset.done $0x0  }
0x150: {  	v9 =	vor.u32 v9, v10;
	[sflag:s10] =	ssyncadd.s32 $0xFFFFE000  }
0x151: {  	v10 =	vor.u32 v1, v9;
	v8 =	vld.idx.msk [tilespmem:v8+s29+$0x0], $0xffff  }
0x152: {  	v52 =	vor.u32 s2, v2;
	_ =	sdelay $0x3  }
0x153: {  	[tilespmem:v10+s19+$0x0] =	vst.idx.msk $0xffff, v8  }
0x154: {  	v53 =	vor.u32 v3, v9;
	v8 =	vld.idx.msk [tilespmem:v52+s29+$0x0], $0xffff  }
0x155: {  	v54 =	vor.u32 s2, v4;
	_ =	sdelay $0x3  }
0x156: {  	[tilespmem:v53+s19+$0x0] =	vst.idx.msk $0xffff, v8  }
0x157: {  	v55 =	vor.u32 v5, v9;
	v8 =	vld.idx.msk [tilespmem:v54+s29+$0x0], $0xffff  }
0x158: {  	v56 =	vor.u32 s2, v6;
	_ =	sdelay $0x3  }
0x159: {  	[tilespmem:v55+s19+$0x0] =	vst.idx.msk $0xffff, v8  }
0x15a: {  	v9 =	vor.u32 v7, v9;
	v8 =	vld.idx.msk [tilespmem:v56+s29+$0x0], $0xffff;
	_ =	sdelay $0x2  }
0x15b: {  	s14 =	rddreg [dreg:$0xf]  }
0x15c: {  	s4 =	sand.u32 @!p0 $0xFFFFF80, s12;
	s1 =	sand.u32 $0x7F, s14  }
0x15d: {  	s6 =	simm.s32 @!p0 $0xC200;
	s20 =	sadd.s32 $0xFFFFFFFF, s31;
	s4 =	sadd.s32 @!p0 s0, s4;
	[tilespmem:v9+s19+$0x0] =	vst.idx.msk $0xffff, v8;
	v8 =	vor.u32 s1, v0  }
0x15e: {  	v57 =	vmov s20;
	[tilespmem:s6], [sflag:$0x7] =	stream.strided.gather @!p0 [hbm4b:s4+s13], $0x2000, s23, s13, $0x38;
	[tilespmem:$0x18200] =	vst v63  }
0x15f: {  	v58 =	vshll.u32 v57, $0x3;
	_ =	swait.ge [sflag:s3], $0x2000  }
0x160: {  	v10 =	vand.u32 $0xC00, v58;
	v9 =	vand.u32 $0x7F, v57;
	[sflag:s3] =	ssyncset.done $0x0  }
0x161: {  	s14 =	simm.s32 $0xE200;
	v9 =	vor.u32 v9, v10;
	[sflag:s3] =	ssyncadd.s32 $0xFFFFE000  }
0x162: {  	v10 =	vor.u32 v1, v9;
	v8 =	vld.idx.msk [tilespmem:v8+s14+$0x0], $0xffff  }
0x163: {  	v59 =	vor.u32 s1, v2;
	_ =	sdelay $0x3  }
0x164: {  	[tilespmem:v10+s19+$0x0] =	vst.idx.msk $0xffff, v8  }
0x165: {  	v60 =	vor.u32 v3, v9;
	v8 =	vld.idx.msk [tilespmem:v59+s14+$0x0], $0xffff  }
0x166: {  	v61 =	vor.u32 s1, v4;
	_ =	sdelay $0x3  }
0x167: {  	[tilespmem:v60+s19+$0x0] =	vst.idx.msk $0xffff, v8  }
0x168: {  	v62 =	vor.u32 v5, v9;
	v8 =	vld.idx.msk [tilespmem:v61+s14+$0x0], $0xffff  }
0x169: {  	v63 =	vor.u32 s1, v6;
	_ =	sdelay $0x3  }
0x16a: {  	[tilespmem:v62+s19+$0x0] =	vst.idx.msk $0xffff, v8  }
0x16b: {  	v9 =	vor.u32 v7, v9;
	v8 =	vld.idx.msk [tilespmem:v63+s14+$0x0], $0xffff;
	_ =	sdelay $0x2  }
0x16c: {  	s31 =	sadd.s32 @!p0 $0x10, s31  }
0x16d: {  	p1 =	sne.s32 @!p0 s31, $0x210;
	s1 =	sand.u32 @!p0 $0xFFFFF80, s11  }
0x16e: {  	s1 =	sadd.s32 @!p0 s0, s1;
	s4 =	simm.s32 @!p0 $0xE200;
	s8 =	rddreg [dreg:$0xd];
	[tilespmem:v9+s19+$0x0] =	vst.idx.msk $0xffff, v8  }
0x16f: {  	[tilespmem:s4], [sflag:$0x8] =	stream.strided.gather @!p0 [hbm4b:s1+s13], $0x2000, s23, s13, $0x38;
	[tilespmem:$0x18200] =	vst v63  }
0x170: {  	s6 =	rddreg [dreg:$0xc];
	p0 =	por p0, !p1  }
.Ltmp0:
0x171: {  	s20 =	rddreg [dreg:$0xa];
	(pc) =	sbr.rel @!p0 .LBB2_2-.Ltmp0, $4  }
0x172: {  	s15 =	simm.s32 $0x200;
	s2 =	smov.u32 s11;
	s3 =	rddreg [dreg:$0xe]  }
0x173: {  	s10 =	simm.s32 $0x1;
	s29 =	smov.u32 s12;
	s4 =	rddreg [dreg:$0xb]  }
0x174: {  	s12 =	simm.s32 $0x400;
	s11 =	simm.s32 $0x7A1400;
	s23 =	rddreg [dreg:$0x9]  }
0x175: {  	s13 =	simm.s32 $0x2;
	s1 =	smov.u32 s24;
	s24 =	rddreg [dreg:$0x8]  }
0x176: {  	s1 =	rddreg [dreg:$0x5];
	s2 =	simm.s32 $0x1000;
	s3 =	simm.s32 $0x20000  }
0x177: {  	[hbm4b:s1+s2] =	stream.strided.scatter [tilespmem:s19], [sflag:$0x9], $0x8000, s3, s2, $0x38;
	[tilespmem:$0x18200] =	vst v63  }
0x178: {  	s3 =	simm.s32 $0x9  }
0x179: {  	_ =	swait.ge [sflag:s3], $0x8000  }
0x17a: {  	s30 =	rddreg [dreg:$0x7]  }
0x17b: {  	s31 =	rddreg [dreg:$0x6];
	s2 =	sadd.s32 $0x1, s30  }
0x17c: {  	p0 =	sne.s32 s2, s31  }
.Ltmp1:
0x17d: {  	_ = 	snop;
	(pc) =	sbr.rel @p0 .LBB2_1-.Ltmp1, $3  }
0x17e: {  	_ =	sdelay $0x1  }
0x17f: {  	s4 =	simm.s32 $0x2200;
	s5 =	simm.s32 $0x4200;
	[sflag:s3] =	ssyncset.done $0x0  }
0x180: {  	s6 =	simm.s32 $0xA200;
	s8 =	simm.s32 $0xC200;
	[sflag:s3] =	ssyncadd.s32 $0xFFFF8000  }
0x181: {  	_ =	sfence.sel $0x180000  }
0x182: {  	[bflag:$0x0] =	sbarrier.arrive $0xFFFF  }
0x183: {  	_ =	strace $0x90000047  }
0x184: {  	s0 =	stileid.u32;
	[bflag:$0x2] =	sbarrier.arrive $0xFFFF  }
0x185: {  	p0 =	sne.s32 s0, $0x0;
	s0 =	rddreg [dreg:$0x3]  }
0x186: {  	s0 =	sadd.s32 @!p0 $0x100000, s0  }
0x187: {  	[sflag:s0] =	ssyncadd.tile.s32 @!p0 $0x1;
	_ =	shalt  }
.Lfunc_end2:
_tile_overlayer_lowered:
.L_overlay_start_2:
0x188: {  	(tag) =	ssettag $0x2  }
0x189: {  	s0 =	rddreg [dreg:$0x0];
	s2 =	stileid.u32  }
0x18a: {  	s1 =	rddreg [dreg:$0x1];
	p0 =	sne.s32 s2, $0x0  }
0x18b: {  	s3 =	rddreg [dreg:$0x2];
	[bflag:$0x3] =	sbarrier.arrive $0xFFFF;
	s2 =	simm.s32 @!p0 $0x1C09  }
0x18c: {  	[timem:s3], [sflag:s2] =	dma.local @!p0 [hbm:s0], s1  }
0x18d: {  	s0 =	simm.s32 @!p0 $0x9  }
0x18e: {  	_ =	swait.ge @!p0 [sflag:s0], s1  }
0x18f: {  	s1 =	ssub.s32 @!p0 $0x0, s1;
	[sflag:s0] =	ssyncset.done @!p0 $0x0  }
0x190: {  	[sflag:s0] =	ssyncadd.s32 @!p0 s1  }
0x191: {  	[bflag:$0x3] =	sbarrier.arrive $0xFFFF  }
0x192: {  	_ =	shalt  }

</sc_bundles>
